<compile_context>
chip_gen: v7x
topology: tpu7x:2x2x1
jax: 0.10.2.dev20260603
libtpu: 0.0.44.dev20260713+nightly
codegen_flags: <defaults>
</compile_context>

<pallas_src>
import functools

import jax
import jax.numpy as jnp
from jax import lax
from jax.experimental import pallas as pl
from jax.experimental.pallas import tpu as pltpu
from jax.experimental.pallas import tpu_sc as plsc

SEQ = 2048
D = 128
B = 16
NC = 2
NS = 16
NW = NC * NS
LBLK = SEQ // NW
KV = D // 16
DEPTH = 4


def _emb_body(tokens_hbm, types_hbm, pos_hbm, tok_tbl_hbm, typ_tbl_hbm,
              out_hbm, fused_hbm, tok_idx, typ_idx, pos_v, typ_v, fused_v,
              idxs, bufs, obufs, ssem, gsems, osems):
    cid = lax.axis_index("c")
    sid = lax.axis_index("s")
    wid = sid * NC + cid
    l0 = wid * LBLK
    l0a = (wid // 2) * 128
    coff = (wid % 2) * LBLK
    sbase = wid * 2 * LBLK

    c1 = pltpu.async_copy(tokens_hbm.at[:, pl.ds(l0a, 128)], tok_idx, ssem)
    c2 = pltpu.async_copy(types_hbm.at[:, pl.ds(l0a, 128)], typ_idx, ssem)
    c3 = pltpu.async_copy(pos_hbm.at[pl.ds(l0, LBLK)], pos_v, ssem)
    c4 = pltpu.async_copy(typ_tbl_hbm, typ_v, ssem)
    c1.wait()

    def tok_gather(b, buf, gsem):
        pltpu.async_copy(
            tok_tbl_hbm.at[tok_idx.at[b, pl.ds(coff, LBLK)]], buf, gsem
        )

    for q in range(DEPTH - 1):
        tok_gather(q, bufs[q], gsems[q])

    c2.wait()
    c3.wait()
    c4.wait()

    iota = lax.iota(jnp.int32, 16)
    tv = [typ_v[t, pl.ds(k * 16, 16)] for t in range(2) for k in range(KV)]

    def fuse_row(r, carry):
        for t in range(2):
            for k in range(KV):
                s = pl.ds(k * 16, 16)
                fused_v[t * LBLK + r, s] = pos_v[r, s] + tv[t * KV + k]
        return carry

    lax.fori_loop(0, LBLK, fuse_row, 0)
    pltpu.sync_copy(fused_v, fused_hbm.at[pl.ds(sbase, 2 * LBLK)])

    def fused_gather(b, idx, fbuf, gsem):
        for g in range(LBLK // 16):
            tvec = typ_idx[b, pl.ds(coff + g * 16, 16)]
            idx[pl.ds(g * 16, 16)] = (sbase + g * 16) + iota + tvec * LBLK
        pltpu.async_copy(fused_hbm.at[idx], fbuf, gsem)

    for q in range(DEPTH - 1):
        fused_gather(q, idxs[q], obufs[q], gsems[q])

    def wait_gathers(b, idx, buf, fbuf, gsem):
        pltpu.make_async_copy(
            tok_tbl_hbm.at[tok_idx.at[b, pl.ds(coff, LBLK)]], buf, gsem
        ).wait()
        pltpu.make_async_copy(fused_hbm.at[idx], fbuf, gsem).wait()

    def add_batch(buf, fbuf):
        def add_row(r, carry):
            for k in range(KV):
                s = pl.ds(k * 16, 16)
                fbuf[r, s] = buf[r, s] + fbuf[r, s]
            return carry

        lax.fori_loop(0, LBLK, add_row, 0)

    def quarter(i, q):
        b = DEPTH * i + q
        nq = (q + DEPTH - 1) % DEPTH

        @pl.when(b + DEPTH - 1 < B)
        def _():
            bn = b + DEPTH - 1

            def drain_prev():
                pltpu.make_async_copy(
                    obufs[nq],
                    out_hbm.at[pl.ds((bn - DEPTH) * SEQ + l0, LBLK)],
                    osems[nq],
                ).wait()

            if q == 0:
                pl.when(i > 0)(drain_prev)
            else:
                drain_prev()

            tok_gather(bn, bufs[nq], gsems[nq])
            fused_gather(bn, idxs[nq], obufs[nq], gsems[nq])

        wait_gathers(b, idxs[q], bufs[q], obufs[q], gsems[q])
        add_batch(bufs[q], obufs[q])
        pltpu.async_copy(obufs[q], out_hbm.at[pl.ds(b * SEQ + l0, LBLK)],
                         osems[q])

    def group_body(i, carry):
        for q in range(DEPTH):
            quarter(i, q)
        return carry

    lax.fori_loop(0, B // DEPTH, group_body, 0)

    for q in range(DEPTH):
        pltpu.make_async_copy(
            obufs[q], out_hbm.at[pl.ds(l0, LBLK)], osems[q]
        ).wait()


def kernel(tokens, types, pos_table, tok_table, type_table):
    mesh = plsc.VectorSubcoreMesh(
        core_axis_name="c", subcore_axis_name="s", num_cores=NC, num_subcores=NS
    )
    run = functools.partial(
        pl.kernel,
        mesh=mesh,
        out_type=(
            jax.ShapeDtypeStruct((B * SEQ, D), jnp.float32),
            jax.ShapeDtypeStruct((NW * 2 * LBLK, D), jnp.float32),
        ),
        scratch_types=[
            pltpu.VMEM((B, 128), jnp.int32),
            pltpu.VMEM((B, 128), jnp.int32),
            pltpu.VMEM((LBLK, D), jnp.float32),
            pltpu.VMEM((2, D), jnp.float32),
            pltpu.VMEM((2 * LBLK, D), jnp.float32),
            [pltpu.VMEM((LBLK,), jnp.int32) for _ in range(DEPTH)],
            [pltpu.VMEM((LBLK, D), jnp.float32) for _ in range(DEPTH)],
            [pltpu.VMEM((LBLK, D), jnp.float32) for _ in range(DEPTH)],
            pltpu.SemaphoreType.DMA,
            [pltpu.SemaphoreType.DMA for _ in range(DEPTH)],
            [pltpu.SemaphoreType.DMA for _ in range(DEPTH)],
        ],
    )(_emb_body)
    out, _ = run(tokens, types, pos_table, tok_table, type_table)
    return out.reshape(B, SEQ, D)

# --- scband reference (transcript-rebuilt; emitter-appended) ---
"""Pipeline reference for scband-embedding-layer-20615843021019 (READ-ONLY COPY).

The authoritative reference and input builder live on the scoring server;
editing this copy changes nothing except your own understanding.
"""

import jax, jax.numpy as jnp
import numpy as np

SEQ_LEN = 2048
VOCAB = 100000
TYPE_SIZE = 2
D_MODEL = 128
BATCH = 16

def setup_inputs(seed: int = 0) -> dict:
    key = jax.random.key(seed)
    k1, k2, k3, k4, k5 = jax.random.split(key, 5)
    tokens = jax.random.randint(k1, (BATCH, SEQ_LEN), 0, VOCAB, dtype=jnp.int32)
    types = jax.random.randint(k2, (BATCH, SEQ_LEN), 0, TYPE_SIZE, dtype=jnp.int32)
    pos_table = jax.random.normal(k3, (SEQ_LEN, D_MODEL), dtype=jnp.float32) * 0.02
    tok_table = jax.random.normal(k4, (VOCAB, D_MODEL), dtype=jnp.float32) * 0.02
    type_table = jax.random.normal(k5, (TYPE_SIZE, D_MODEL), dtype=jnp.float32) * 0.02
    return {"tokens": tokens, "types": types, "pos_table": pos_table, "tok_table": tok_table, "type_table": type_table}

def reference(tokens, types, pos_table, tok_table, type_table):
    # Faithful translation of EmbeddingLayer.call (dropout in eval mode = identity)
    length = tokens.shape[-1]
    positions = jnp.arange(0, length, 1)
    outputs = jnp.take(pos_table, positions, axis=0)  # [L, D]
    outputs = outputs + jnp.take(tok_table, tokens, axis=0)  # broadcast to [B, L, D]
    outputs = outputs + jnp.take(type_table, types, axis=0)
    return outputs

if __name__ == "__main__":
    import jax
    _d = setup_inputs()
    print(jax.jit(kernel)(*tuple(_d.values())))

</pallas_src>

<mosaic_0001>
#map = affine_map<(d0, d1) -> (0, 0)>
module attributes {stable_mosaic.version = 14 : i64} {
  func.func @_emb_body(%arg0: i32, %arg1: i32, %arg2: memref<16x2048xi32, #tpu.memory_space<hbm>>, %arg3: memref<16x2048xi32, #tpu.memory_space<hbm>>, %arg4: memref<2048x128xf32, #tpu.memory_space<hbm>>, %arg5: memref<100000x128xf32, #tpu.memory_space<hbm>>, %arg6: memref<2x128xf32, #tpu.memory_space<hbm>>, %arg7: memref<32768x128xf32, #tpu.memory_space<hbm>>, %arg8: memref<4096x128xf32, #tpu.memory_space<hbm>>, %arg9: memref<16x128xi32, #tpu.memory_space<vmem>>, %arg10: memref<16x128xi32, #tpu.memory_space<vmem>>, %arg11: memref<64x128xf32, #tpu.memory_space<vmem>>, %arg12: memref<2x128xf32, #tpu.memory_space<vmem>>, %arg13: memref<128x128xf32, #tpu.memory_space<vmem>>, %arg14: memref<64xi32, #tpu.memory_space<vmem>>, %arg15: memref<64xi32, #tpu.memory_space<vmem>>, %arg16: memref<64xi32, #tpu.memory_space<vmem>>, %arg17: memref<64xi32, #tpu.memory_space<vmem>>, %arg18: memref<64x128xf32, #tpu.memory_space<vmem>>, %arg19: memref<64x128xf32, #tpu.memory_space<vmem>>, %arg20: memref<64x128xf32, #tpu.memory_space<vmem>>, %arg21: memref<64x128xf32, #tpu.memory_space<vmem>>, %arg22: memref<64x128xf32, #tpu.memory_space<vmem>>, %arg23: memref<64x128xf32, #tpu.memory_space<vmem>>, %arg24: memref<64x128xf32, #tpu.memory_space<vmem>>, %arg25: memref<64x128xf32, #tpu.memory_space<vmem>>, %arg26: memref<!tpu.dma_semaphore, #tpu.memory_space<semaphore_mem>>, %arg27: memref<!tpu.dma_semaphore, #tpu.memory_space<semaphore_mem>>, %arg28: memref<!tpu.dma_semaphore, #tpu.memory_space<semaphore_mem>>, %arg29: memref<!tpu.dma_semaphore, #tpu.memory_space<semaphore_mem>>, %arg30: memref<!tpu.dma_semaphore, #tpu.memory_space<semaphore_mem>>, %arg31: memref<!tpu.dma_semaphore, #tpu.memory_space<semaphore_mem>>, %arg32: memref<!tpu.dma_semaphore, #tpu.memory_space<semaphore_mem>>, %arg33: memref<!tpu.dma_semaphore, #tpu.memory_space<semaphore_mem>>, %arg34: memref<!tpu.dma_semaphore, #tpu.memory_space<semaphore_mem>>) attributes {dimension_semantics = [#tpu.dimension_semantics<core_parallel>, #tpu.dimension_semantics<subcore_parallel>], iteration_bounds = array<i64: 2, 16>, scalar_prefetch = 0 : i64, scratch_operands = 26 : i64, tpu.core_type = #tpu.core_type<sc_vector_subcore>, window_params = [{transform_indices = #map}, {transform_indices = #map}, {transform_indices = #map}, {transform_indices = #map}, {transform_indices = #map}, {transform_indices = #map}, {transform_indices = #map}]} {
    %mul3A = arith.constant 2 : i32
    %mul3A_0 = arith.muli %arg1, %mul3A : i32
    %add3A = arith.addi %mul3A_0, %arg0 : i32
    %mul3A_1 = arith.constant 64 : i32
    %mul3A_2 = arith.muli %add3A, %mul3A_1 : i32
    %jit3A = arith.constant 2 : i32
    %div3A = arith.divsi %add3A, %jit3A : i32
    %sign3A = arith.constant 0 : i32
    %sign3A_3 = arith.cmpi sgt, %add3A, %sign3A : i32
    %sign3A_4 = arith.extui %sign3A_3 : i1 to i32
    %sign3A_5 = arith.constant 0 : i32
    %sign3A_6 = arith.cmpi slt, %add3A, %sign3A_5 : i32
    %sign3A_7 = arith.extui %sign3A_6 : i1 to i32
    %sign3A_8 = arith.subi %sign3A_4, %sign3A_7 : i32
    %sign3A_9 = arith.constant 0 : i32
    %sign3A_10 = arith.cmpi sgt, %jit3A, %sign3A_9 : i32
    %sign3A_11 = arith.extui %sign3A_10 : i1 to i32
    %sign3A_12 = arith.constant 0 : i32
    %sign3A_13 = arith.cmpi slt, %jit3A, %sign3A_12 : i32
    %sign3A_14 = arith.extui %sign3A_13 : i1 to i32
    %sign3A_15 = arith.subi %sign3A_11, %sign3A_14 : i32
    %ne3A = arith.cmpi ne, %sign3A_8, %sign3A_15 : i32
    %rem3A = arith.remsi %add3A, %jit3A : i32
    %ne3A_16 = arith.constant 0 : i32
    %ne3A_17 = arith.cmpi ne, %rem3A, %ne3A_16 : i32
    %and3A = arith.andi %ne3A, %ne3A_17 : i1
    %sub3A = arith.constant 1 : i32
    %sub3A_18 = arith.subi %div3A, %sub3A : i32
    %select_n3A = arith.select %and3A, %sub3A_18, %div3A : i32
    %mul3A_19 = arith.constant 128 : i32
    %mul3A_20 = arith.muli %select_n3A, %mul3A_19 : i32
    %jit3A_21 = arith.constant 2 : i32
    %eq3A = arith.constant 0 : i32
    %eq3A_22 = arith.cmpi eq, %jit3A_21, %eq3A : i32
    %jit3A_23 = arith.constant 1 : i32
    %select_n3A_24 = arith.select %eq3A_22, %jit3A_23, %jit3A_21 : i32
    %rem3A_25 = arith.remsi %add3A, %select_n3A_24 : i32
    %ne3A_26 = arith.constant 0 : i32
    %ne3A_27 = arith.cmpi ne, %rem3A_25, %ne3A_26 : i32
    %lt3A = arith.constant 0 : i32
    %lt3A_28 = arith.cmpi slt, %rem3A_25, %lt3A : i32
    %lt3A_29 = arith.constant 0 : i32
    %lt3A_30 = arith.cmpi slt, %select_n3A_24, %lt3A_29 : i32
    %ne3A_31 = arith.xori %lt3A_28, %lt3A_30 : i1
    %and3A_32 = arith.andi %ne3A_31, %ne3A_27 : i1
    %add3A_33 = arith.addi %rem3A_25, %select_n3A_24 : i32
    %select_n3A_34 = arith.select %and3A_32, %add3A_33, %rem3A_25 : i32
    %mul3A_35 = arith.constant 64 : i32
    %mul3A_36 = arith.muli %select_n3A_34, %mul3A_35 : i32
    %mul3A_37 = arith.constant 2 : i32
    %mul3A_38 = arith.muli %add3A, %mul3A_37 : i32
    %mul3A_39 = arith.constant 64 : i32
    %mul3A_40 = arith.muli %mul3A_38, %mul3A_39 : i32
    %dma_start3A = arith.constant 0 : i32
    %dma_start3A_41 = tpu.memref_slice %arg2[%dma_start3A, %mul3A_20] : memref<16x2048xi32, #tpu.memory_space<hbm>> -> memref<16x128xi32, #tpu.memory_space<hbm>>
    %dma_start3A_42 = arith.constant 0 : i32
    %dma_start3A_43 = tpu.memref_slice %arg2[%dma_start3A_42, %mul3A_20] : memref<16x2048xi32, #tpu.memory_space<hbm>> -> memref<16x128xi32, #tpu.memory_space<hbm>>
    tpu.enqueue_dma source(%dma_start3A_43 : memref<16x128xi32, #tpu.memory_space<hbm>>) target(%arg9 : memref<16x128xi32, #tpu.memory_space<vmem>>) target_semaphore(%arg26 : memref<!tpu.dma_semaphore, #tpu.memory_space<semaphore_mem>>)
    %dma_start3A_44 = arith.constant 0 : i32
    %dma_start3A_45 = tpu.memref_slice %arg3[%dma_start3A_44, %mul3A_20] : memref<16x2048xi32, #tpu.memory_space<hbm>> -> memref<16x128xi32, #tpu.memory_space<hbm>>
    %dma_start3A_46 = arith.constant 0 : i32
    %dma_start3A_47 = tpu.memref_slice %arg3[%dma_start3A_46, %mul3A_20] : memref<16x2048xi32, #tpu.memory_space<hbm>> -> memref<16x128xi32, #tpu.memory_space<hbm>>
    tpu.enqueue_dma source(%dma_start3A_47 : memref<16x128xi32, #tpu.memory_space<hbm>>) target(%arg10 : memref<16x128xi32, #tpu.memory_space<vmem>>) target_semaphore(%arg26 : memref<!tpu.dma_semaphore, #tpu.memory_space<semaphore_mem>>)
    %dma_start3A_48 = arith.constant 0 : i32
    %dma_start3A_49 = tpu.memref_slice %arg4[%mul3A_2, %dma_start3A_48] : memref<2048x128xf32, #tpu.memory_space<hbm>> -> memref<64x128xf32, #tpu.memory_space<hbm>>
    %dma_start3A_50 = arith.constant 0 : i32
    %dma_start3A_51 = tpu.memref_slice %arg4[%mul3A_2, %dma_start3A_50] : memref<2048x128xf32, #tpu.memory_space<hbm>> -> memref<64x128xf32, #tpu.memory_space<hbm>>
    tpu.enqueue_dma source(%dma_start3A_51 : memref<64x128xf32, #tpu.memory_space<hbm>>) target(%arg11 : memref<64x128xf32, #tpu.memory_space<vmem>>) target_semaphore(%arg26 : memref<!tpu.dma_semaphore, #tpu.memory_space<semaphore_mem>>)
    tpu.enqueue_dma source(%arg6 : memref<2x128xf32, #tpu.memory_space<hbm>>) target(%arg12 : memref<2x128xf32, #tpu.memory_space<vmem>>) target_semaphore(%arg26 : memref<!tpu.dma_semaphore, #tpu.memory_space<semaphore_mem>>)
    %dma_wait3A = arith.constant 0 : i32
    %dma_wait3A_52 = tpu.memref_slice %arg2[%dma_wait3A, %mul3A_20] : memref<16x2048xi32, #tpu.memory_space<hbm>> -> memref<16x128xi32, #tpu.memory_space<hbm>>
    %dma_wait3A_53 = arith.constant 0 : i32
    %dma_wait3A_54 = tpu.memref_slice %arg2[%dma_wait3A_53, %mul3A_20] : memref<16x2048xi32, #tpu.memory_space<hbm>> -> memref<16x128xi32, #tpu.memory_space<hbm>>
    tpu.wait_dma2 semaphore(%arg26 : memref<!tpu.dma_semaphore, #tpu.memory_space<semaphore_mem>>) src(%dma_wait3A_54 : memref<16x128xi32, #tpu.memory_space<hbm>>) dst(%arg9 : memref<16x128xi32, #tpu.memory_space<vmem>>)
    %dma_start3A_55 = arith.constant 0 : i32
    %dma_start3A_56 = tpu.memref_slice %arg9[%dma_start3A_55, %mul3A_36] : memref<16x128xi32, #tpu.memory_space<vmem>> -> memref<1x64xi32, #tpu.memory_space<vmem>>
    %dma_start3A_57 = tpu.memref_squeeze %dma_start3A_56 : memref<1x64xi32, #tpu.memory_space<vmem>> -> memref<64xi32, #tpu.memory_space<vmem>>
    %dma_start3A_58 = arith.constant 0 : i32
    %dma_start3A_59 = arith.constant 0 : i32
    %dma_start3A_60 = tpu.memref_slice %arg5[%dma_start3A_58, %dma_start3A_59] : memref<100000x128xf32, #tpu.memory_space<hbm>> -> memref<100000x128xf32, #tpu.memory_space<hbm>>
    tpu.enqueue_indirect_dma source(%dma_start3A_60 : memref<100000x128xf32, #tpu.memory_space<hbm>>) target(%arg18 : memref<64x128xf32, #tpu.memory_space<vmem>>) offsets(%dma_start3A_57 : memref<64xi32, #tpu.memory_space<vmem>>) semaphore(%arg27 : memref<!tpu.dma_semaphore, #tpu.memory_space<semaphore_mem>>)
    %dma_start3A_61 = arith.constant 1 : i32
    %dma_start3A_62 = tpu.memref_slice %arg9[%dma_start3A_61, %mul3A_36] : memref<16x128xi32, #tpu.memory_space<vmem>> -> memref<1x64xi32, #tpu.memory_space<vmem>>
    %dma_start3A_63 = tpu.memref_squeeze %dma_start3A_62 : memref<1x64xi32, #tpu.memory_space<vmem>> -> memref<64xi32, #tpu.memory_space<vmem>>
    %dma_start3A_64 = arith.constant 0 : i32
    %dma_start3A_65 = arith.constant 0 : i32
    %dma_start3A_66 = tpu.memref_slice %arg5[%dma_start3A_64, %dma_start3A_65] : memref<100000x128xf32, #tpu.memory_space<hbm>> -> memref<100000x128xf32, #tpu.memory_space<hbm>>
    tpu.enqueue_indirect_dma source(%dma_start3A_66 : memref<100000x128xf32, #tpu.memory_space<hbm>>) target(%arg19 : memref<64x128xf32, #tpu.memory_space<vmem>>) offsets(%dma_start3A_63 : memref<64xi32, #tpu.memory_space<vmem>>) semaphore(%arg28 : memref<!tpu.dma_semaphore, #tpu.memory_space<semaphore_mem>>)
    %dma_start3A_67 = arith.constant 2 : i32
    %dma_start3A_68 = tpu.memref_slice %arg9[%dma_start3A_67, %mul3A_36] : memref<16x128xi32, #tpu.memory_space<vmem>> -> memref<1x64xi32, #tpu.memory_space<vmem>>
    %dma_start3A_69 = tpu.memref_squeeze %dma_start3A_68 : memref<1x64xi32, #tpu.memory_space<vmem>> -> memref<64xi32, #tpu.memory_space<vmem>>
    %dma_start3A_70 = arith.constant 0 : i32
    %dma_start3A_71 = arith.constant 0 : i32
    %dma_start3A_72 = tpu.memref_slice %arg5[%dma_start3A_70, %dma_start3A_71] : memref<100000x128xf32, #tpu.memory_space<hbm>> -> memref<100000x128xf32, #tpu.memory_space<hbm>>
    tpu.enqueue_indirect_dma source(%dma_start3A_72 : memref<100000x128xf32, #tpu.memory_space<hbm>>) target(%arg20 : memref<64x128xf32, #tpu.memory_space<vmem>>) offsets(%dma_start3A_69 : memref<64xi32, #tpu.memory_space<vmem>>) semaphore(%arg29 : memref<!tpu.dma_semaphore, #tpu.memory_space<semaphore_mem>>)
    %dma_wait3A_73 = arith.constant 0 : i32
    %dma_wait3A_74 = tpu.memref_slice %arg3[%dma_wait3A_73, %mul3A_20] : memref<16x2048xi32, #tpu.memory_space<hbm>> -> memref<16x128xi32, #tpu.memory_space<hbm>>
    %dma_wait3A_75 = arith.constant 0 : i32
    %dma_wait3A_76 = tpu.memref_slice %arg3[%dma_wait3A_75, %mul3A_20] : memref<16x2048xi32, #tpu.memory_space<hbm>> -> memref<16x128xi32, #tpu.memory_space<hbm>>
    tpu.wait_dma2 semaphore(%arg26 : memref<!tpu.dma_semaphore, #tpu.memory_space<semaphore_mem>>) src(%dma_wait3A_76 : memref<16x128xi32, #tpu.memory_space<hbm>>) dst(%arg10 : memref<16x128xi32, #tpu.memory_space<vmem>>)
    %dma_wait3A_77 = arith.constant 0 : i32
    %dma_wait3A_78 = tpu.memref_slice %arg4[%mul3A_2, %dma_wait3A_77] : memref<2048x128xf32, #tpu.memory_space<hbm>> -> memref<64x128xf32, #tpu.memory_space<hbm>>
    %dma_wait3A_79 = arith.constant 0 : i32
    %dma_wait3A_80 = tpu.memref_slice %arg4[%mul3A_2, %dma_wait3A_79] : memref<2048x128xf32, #tpu.memory_space<hbm>> -> memref<64x128xf32, #tpu.memory_space<hbm>>
    tpu.wait_dma2 semaphore(%arg26 : memref<!tpu.dma_semaphore, #tpu.memory_space<semaphore_mem>>) src(%dma_wait3A_80 : memref<64x128xf32, #tpu.memory_space<hbm>>) dst(%arg11 : memref<64x128xf32, #tpu.memory_space<vmem>>)
    tpu.wait_dma2 semaphore(%arg26 : memref<!tpu.dma_semaphore, #tpu.memory_space<semaphore_mem>>) src(%arg6 : memref<2x128xf32, #tpu.memory_space<hbm>>) dst(%arg12 : memref<2x128xf32, #tpu.memory_space<vmem>>)
    %iota3A = tpu.iota {dimensions = array<i32: 0>} : vector<16xi32>
    %get3A = arith.constant 0 : i32
    %get3A_81 = arith.index_cast %get3A : i32 to index
    %get3A_82 = arith.constant 0 : index
    %get3A_83 = tpu.vector_load %arg12[%get3A_81, %get3A_82] {strides = array<i32>} : memref<2x128xf32, #tpu.memory_space<vmem>>, vector<1x16xf32>,
    %get3A_84 = vector.shape_cast %get3A_83 : vector<1x16xf32> to vector<16xf32>
    %get3A_85 = arith.constant 0 : i32
    %get3A_86 = arith.index_cast %get3A_85 : i32 to index
    %get3A_87 = arith.constant 16 : index
    %get3A_88 = tpu.vector_load %arg12[%get3A_86, %get3A_87] {strides = array<i32>} : memref<2x128xf32, #tpu.memory_space<vmem>>, vector<1x16xf32>,
    %get3A_89 = vector.shape_cast %get3A_88 : vector<1x16xf32> to vector<16xf32>
    %get3A_90 = arith.constant 0 : i32
    %get3A_91 = arith.index_cast %get3A_90 : i32 to index
    %get3A_92 = arith.constant 32 : index
    %get3A_93 = tpu.vector_load %arg12[%get3A_91, %get3A_92] {strides = array<i32>} : memref<2x128xf32, #tpu.memory_space<vmem>>, vector<1x16xf32>,
    %get3A_94 = vector.shape_cast %get3A_93 : vector<1x16xf32> to vector<16xf32>
    %get3A_95 = arith.constant 0 : i32
    %get3A_96 = arith.index_cast %get3A_95 : i32 to index
    %get3A_97 = arith.constant 48 : index
    %get3A_98 = tpu.vector_load %arg12[%get3A_96, %get3A_97] {strides = array<i32>} : memref<2x128xf32, #tpu.memory_space<vmem>>, vector<1x16xf32>,
    %get3A_99 = vector.shape_cast %get3A_98 : vector<1x16xf32> to vector<16xf32>
    %get3A_100 = arith.constant 0 : i32
    %get3A_101 = arith.index_cast %get3A_100 : i32 to index
    %get3A_102 = arith.constant 64 : index
    %get3A_103 = tpu.vector_load %arg12[%get3A_101, %get3A_102] {strides = array<i32>} : memref<2x128xf32, #tpu.memory_space<vmem>>, vector<1x16xf32>,
    %get3A_104 = vector.shape_cast %get3A_103 : vector<1x16xf32> to vector<16xf32>
    %get3A_105 = arith.constant 0 : i32
    %get3A_106 = arith.index_cast %get3A_105 : i32 to index
    %get3A_107 = arith.constant 80 : index
    %get3A_108 = tpu.vector_load %arg12[%get3A_106, %get3A_107] {strides = array<i32>} : memref<2x128xf32, #tpu.memory_space<vmem>>, vector<1x16xf32>,
    %get3A_109 = vector.shape_cast %get3A_108 : vector<1x16xf32> to vector<16xf32>
    %get3A_110 = arith.constant 0 : i32
    %get3A_111 = arith.index_cast %get3A_110 : i32 to index
    %get3A_112 = arith.constant 96 : index
    %get3A_113 = tpu.vector_load %arg12[%get3A_111, %get3A_112] {strides = array<i32>} : memref<2x128xf32, #tpu.memory_space<vmem>>, vector<1x16xf32>,
    %get3A_114 = vector.shape_cast %get3A_113 : vector<1x16xf32> to vector<16xf32>
    %get3A_115 = arith.constant 0 : i32
    %get3A_116 = arith.index_cast %get3A_115 : i32 to index
    %get3A_117 = arith.constant 112 : index
    %get3A_118 = tpu.vector_load %arg12[%get3A_116, %get3A_117] {strides = array<i32>} : memref<2x128xf32, #tpu.memory_space<vmem>>, vector<1x16xf32>,
    %get3A_119 = vector.shape_cast %get3A_118 : vector<1x16xf32> to vector<16xf32>
    %get3A_120 = arith.constant 1 : i32
    %get3A_121 = arith.index_cast %get3A_120 : i32 to index
    %get3A_122 = arith.constant 0 : index
    %get3A_123 = tpu.vector_load %arg12[%get3A_121, %get3A_122] {strides = array<i32>} : memref<2x128xf32, #tpu.memory_space<vmem>>, vector<1x16xf32>,
    %get3A_124 = vector.shape_cast %get3A_123 : vector<1x16xf32> to vector<16xf32>
    %get3A_125 = arith.constant 1 : i32
    %get3A_126 = arith.index_cast %get3A_125 : i32 to index
    %get3A_127 = arith.constant 16 : index
    %get3A_128 = tpu.vector_load %arg12[%get3A_126, %get3A_127] {strides = array<i32>} : memref<2x128xf32, #tpu.memory_space<vmem>>, vector<1x16xf32>,
    %get3A_129 = vector.shape_cast %get3A_128 : vector<1x16xf32> to vector<16xf32>
    %get3A_130 = arith.constant 1 : i32
    %get3A_131 = arith.index_cast %get3A_130 : i32 to index
    %get3A_132 = arith.constant 32 : index
    %get3A_133 = tpu.vector_load %arg12[%get3A_131, %get3A_132] {strides = array<i32>} : memref<2x128xf32, #tpu.memory_space<vmem>>, vector<1x16xf32>,
    %get3A_134 = vector.shape_cast %get3A_133 : vector<1x16xf32> to vector<16xf32>
    %get3A_135 = arith.constant 1 : i32
    %get3A_136 = arith.index_cast %get3A_135 : i32 to index
    %get3A_137 = arith.constant 48 : index
    %get3A_138 = tpu.vector_load %arg12[%get3A_136, %get3A_137] {strides = array<i32>} : memref<2x128xf32, #tpu.memory_space<vmem>>, vector<1x16xf32>,
    %get3A_139 = vector.shape_cast %get3A_138 : vector<1x16xf32> to vector<16xf32>
    %get3A_140 = arith.constant 1 : i32
    %get3A_141 = arith.index_cast %get3A_140 : i32 to index
    %get3A_142 = arith.constant 64 : index
    %get3A_143 = tpu.vector_load %arg12[%get3A_141, %get3A_142] {strides = array<i32>} : memref<2x128xf32, #tpu.memory_space<vmem>>, vector<1x16xf32>,
    %get3A_144 = vector.shape_cast %get3A_143 : vector<1x16xf32> to vector<16xf32>
    %get3A_145 = arith.constant 1 : i32
    %get3A_146 = arith.index_cast %get3A_145 : i32 to index
    %get3A_147 = arith.constant 80 : index
    %get3A_148 = tpu.vector_load %arg12[%get3A_146, %get3A_147] {strides = array<i32>} : memref<2x128xf32, #tpu.memory_space<vmem>>, vector<1x16xf32>,
    %get3A_149 = vector.shape_cast %get3A_148 : vector<1x16xf32> to vector<16xf32>
    %get3A_150 = arith.constant 1 : i32
    %get3A_151 = arith.index_cast %get3A_150 : i32 to index
    %get3A_152 = arith.constant 96 : index
    %get3A_153 = tpu.vector_load %arg12[%get3A_151, %get3A_152] {strides = array<i32>} : memref<2x128xf32, #tpu.memory_space<vmem>>, vector<1x16xf32>,
    %get3A_154 = vector.shape_cast %get3A_153 : vector<1x16xf32> to vector<16xf32>
    %get3A_155 = arith.constant 1 : i32
    %get3A_156 = arith.index_cast %get3A_155 : i32 to index
    %get3A_157 = arith.constant 112 : index
    %get3A_158 = tpu.vector_load %arg12[%get3A_156, %get3A_157] {strides = array<i32>} : memref<2x128xf32, #tpu.memory_space<vmem>>, vector<1x16xf32>,
    %get3A_159 = vector.shape_cast %get3A_158 : vector<1x16xf32> to vector<16xf32>
    %scan3A = arith.constant 0 : i32
    %scan3A_160 = arith.constant 0 : i32
    %scan3A_161 = arith.constant 64 : i32
    %scan3A_162 = arith.addi %scan3A_160, %scan3A_161 : i32
    %scan3A_163 = arith.constant 1 : i32
    scf.for %scan3A_423 = %scan3A_160 to %scan3A_162 step %scan3A_163  : i32 {
      %get3A_424 = arith.index_cast %scan3A_423 : i32 to index
      %get3A_425 = arith.constant 0 : index
      %get3A_426 = tpu.vector_load %arg11[%get3A_424, %get3A_425] {strides = array<i32>} : memref<64x128xf32, #tpu.memory_space<vmem>>, vector<1x16xf32>,
      %get3A_427 = vector.shape_cast %get3A_426 : vector<1x16xf32> to vector<16xf32>
      %add3A_428 = arith.addf %get3A_427, %get3A_84 : vector<16xf32>
      %add3A_429 = arith.constant 0 : i32
      %add3A_430 = arith.addi %add3A_429, %scan3A_423 : i32
      %swap3A_431 = arith.index_cast %add3A_430 : i32 to index
      %swap3A_432 = arith.constant 0 : index
      %swap3A_433 = tpu.vector_load %arg13[%swap3A_431, %swap3A_432] {strides = array<i32>} : memref<128x128xf32, #tpu.memory_space<vmem>>, vector<1x16xf32>,
      %swap3A_434 = vector.shape_cast %swap3A_433 : vector<1x16xf32> to vector<16xf32>
      %swap3A_435 = vector.shape_cast %add3A_428 : vector<16xf32> to vector<1x16xf32>
      tpu.vector_store %arg13[%swap3A_431, %swap3A_432], %swap3A_435 {strides = array<i32>} : memref<128x128xf32, #tpu.memory_space<vmem>>, vector<1x16xf32>,
      %get3A_436 = arith.index_cast %scan3A_423 : i32 to index
      %get3A_437 = arith.constant 16 : index
      %get3A_438 = tpu.vector_load %arg11[%get3A_436, %get3A_437] {strides = array<i32>} : memref<64x128xf32, #tpu.memory_space<vmem>>, vector<1x16xf32>,
      %get3A_439 = vector.shape_cast %get3A_438 : vector<1x16xf32> to vector<16xf32>
      %add3A_440 = arith.addf %get3A_439, %get3A_89 : vector<16xf32>
      %add3A_441 = arith.constant 0 : i32
      %add3A_442 = arith.addi %add3A_441, %scan3A_423 : i32
      %swap3A_443 = arith.index_cast %add3A_442 : i32 to index
      %swap3A_444 = arith.constant 16 : index
      %swap3A_445 = tpu.vector_load %arg13[%swap3A_443, %swap3A_444] {strides = array<i32>} : memref<128x128xf32, #tpu.memory_space<vmem>>, vector<1x16xf32>,
      %swap3A_446 = vector.shape_cast %swap3A_445 : vector<1x16xf32> to vector<16xf32>
      %swap3A_447 = vector.shape_cast %add3A_440 : vector<16xf32> to vector<1x16xf32>
      tpu.vector_store %arg13[%swap3A_443, %swap3A_444], %swap3A_447 {strides = array<i32>} : memref<128x128xf32, #tpu.memory_space<vmem>>, vector<1x16xf32>,
      %get3A_448 = arith.index_cast %scan3A_423 : i32 to index
      %get3A_449 = arith.constant 32 : index
      %get3A_450 = tpu.vector_load %arg11[%get3A_448, %get3A_449] {strides = array<i32>} : memref<64x128xf32, #tpu.memory_space<vmem>>, vector<1x16xf32>,
      %get3A_451 = vector.shape_cast %get3A_450 : vector<1x16xf32> to vector<16xf32>
      %add3A_452 = arith.addf %get3A_451, %get3A_94 : vector<16xf32>
      %add3A_453 = arith.constant 0 : i32
      %add3A_454 = arith.addi %add3A_453, %scan3A_423 : i32
      %swap3A_455 = arith.index_cast %add3A_454 : i32 to index
      %swap3A_456 = arith.constant 32 : index
      %swap3A_457 = tpu.vector_load %arg13[%swap3A_455, %swap3A_456] {strides = array<i32>} : memref<128x128xf32, #tpu.memory_space<vmem>>, vector<1x16xf32>,
      %swap3A_458 = vector.shape_cast %swap3A_457 : vector<1x16xf32> to vector<16xf32>
      %swap3A_459 = vector.shape_cast %add3A_452 : vector<16xf32> to vector<1x16xf32>
      tpu.vector_store %arg13[%swap3A_455, %swap3A_456], %swap3A_459 {strides = array<i32>} : memref<128x128xf32, #tpu.memory_space<vmem>>, vector<1x16xf32>,
      %get3A_460 = arith.index_cast %scan3A_423 : i32 to index
      %get3A_461 = arith.constant 48 : index
      %get3A_462 = tpu.vector_load %arg11[%get3A_460, %get3A_461] {strides = array<i32>} : memref<64x128xf32, #tpu.memory_space<vmem>>, vector<1x16xf32>,
      %get3A_463 = vector.shape_cast %get3A_462 : vector<1x16xf32> to vector<16xf32>
      %add3A_464 = arith.addf %get3A_463, %get3A_99 : vector<16xf32>
      %add3A_465 = arith.constant 0 : i32
      %add3A_466 = arith.addi %add3A_465, %scan3A_423 : i32
      %swap3A_467 = arith.index_cast %add3A_466 : i32 to index
      %swap3A_468 = arith.constant 48 : index
      %swap3A_469 = tpu.vector_load %arg13[%swap3A_467, %swap3A_468] {strides = array<i32>} : memref<128x128xf32, #tpu.memory_space<vmem>>, vector<1x16xf32>,
      %swap3A_470 = vector.shape_cast %swap3A_469 : vector<1x16xf32> to vector<16xf32>
      %swap3A_471 = vector.shape_cast %add3A_464 : vector<16xf32> to vector<1x16xf32>
      tpu.vector_store %arg13[%swap3A_467, %swap3A_468], %swap3A_471 {strides = array<i32>} : memref<128x128xf32, #tpu.memory_space<vmem>>, vector<1x16xf32>,
      %get3A_472 = arith.index_cast %scan3A_423 : i32 to index
      %get3A_473 = arith.constant 64 : index
      %get3A_474 = tpu.vector_load %arg11[%get3A_472, %get3A_473] {strides = array<i32>} : memref<64x128xf32, #tpu.memory_space<vmem>>, vector<1x16xf32>,
      %get3A_475 = vector.shape_cast %get3A_474 : vector<1x16xf32> to vector<16xf32>
      %add3A_476 = arith.addf %get3A_475, %get3A_104 : vector<16xf32>
      %add3A_477 = arith.constant 0 : i32
      %add3A_478 = arith.addi %add3A_477, %scan3A_423 : i32
      %swap3A_479 = arith.index_cast %add3A_478 : i32 to index
      %swap3A_480 = arith.constant 64 : index
      %swap3A_481 = tpu.vector_load %arg13[%swap3A_479, %swap3A_480] {strides = array<i32>} : memref<128x128xf32, #tpu.memory_space<vmem>>, vector<1x16xf32>,
      %swap3A_482 = vector.shape_cast %swap3A_481 : vector<1x16xf32> to vector<16xf32>
      %swap3A_483 = vector.shape_cast %add3A_476 : vector<16xf32> to vector<1x16xf32>
      tpu.vector_store %arg13[%swap3A_479, %swap3A_480], %swap3A_483 {strides = array<i32>} : memref<128x128xf32, #tpu.memory_space<vmem>>, vector<1x16xf32>,
      %get3A_484 = arith.index_cast %scan3A_423 : i32 to index
      %get3A_485 = arith.constant 80 : index
      %get3A_486 = tpu.vector_load %arg11[%get3A_484, %get3A_485] {strides = array<i32>} : memref<64x128xf32, #tpu.memory_space<vmem>>, vector<1x16xf32>,
      %get3A_487 = vector.shape_cast %get3A_486 : vector<1x16xf32> to vector<16xf32>
      %add3A_488 = arith.addf %get3A_487, %get3A_109 : vector<16xf32>
      %add3A_489 = arith.constant 0 : i32
      %add3A_490 = arith.addi %add3A_489, %scan3A_423 : i32
      %swap3A_491 = arith.index_cast %add3A_490 : i32 to index
      %swap3A_492 = arith.constant 80 : index
      %swap3A_493 = tpu.vector_load %arg13[%swap3A_491, %swap3A_492] {strides = array<i32>} : memref<128x128xf32, #tpu.memory_space<vmem>>, vector<1x16xf32>,
      %swap3A_494 = vector.shape_cast %swap3A_493 : vector<1x16xf32> to vector<16xf32>
      %swap3A_495 = vector.shape_cast %add3A_488 : vector<16xf32> to vector<1x16xf32>
      tpu.vector_store %arg13[%swap3A_491, %swap3A_492], %swap3A_495 {strides = array<i32>} : memref<128x128xf32, #tpu.memory_space<vmem>>, vector<1x16xf32>,
      %get3A_496 = arith.index_cast %scan3A_423 : i32 to index
      %get3A_497 = arith.constant 96 : index
      %get3A_498 = tpu.vector_load %arg11[%get3A_496, %get3A_497] {strides = array<i32>} : memref<64x128xf32, #tpu.memory_space<vmem>>, vector<1x16xf32>,
      %get3A_499 = vector.shape_cast %get3A_498 : vector<1x16xf32> to vector<16xf32>
      %add3A_500 = arith.addf %get3A_499, %get3A_114 : vector<16xf32>
      %add3A_501 = arith.constant 0 : i32
      %add3A_502 = arith.addi %add3A_501, %scan3A_423 : i32
      %swap3A_503 = arith.index_cast %add3A_502 : i32 to index
      %swap3A_504 = arith.constant 96 : index
      %swap3A_505 = tpu.vector_load %arg13[%swap3A_503, %swap3A_504] {strides = array<i32>} : memref<128x128xf32, #tpu.memory_space<vmem>>, vector<1x16xf32>,
      %swap3A_506 = vector.shape_cast %swap3A_505 : vector<1x16xf32> to vector<16xf32>
      %swap3A_507 = vector.shape_cast %add3A_500 : vector<16xf32> to vector<1x16xf32>
      tpu.vector_store %arg13[%swap3A_503, %swap3A_504], %swap3A_507 {strides = array<i32>} : memref<128x128xf32, #tpu.memory_space<vmem>>, vector<1x16xf32>,
      %get3A_508 = arith.index_cast %scan3A_423 : i32 to index
      %get3A_509 = arith.constant 112 : index
      %get3A_510 = tpu.vector_load %arg11[%get3A_508, %get3A_509] {strides = array<i32>} : memref<64x128xf32, #tpu.memory_space<vmem>>, vector<1x16xf32>,
      %get3A_511 = vector.shape_cast %get3A_510 : vector<1x16xf32> to vector<16xf32>
      %add3A_512 = arith.addf %get3A_511, %get3A_119 : vector<16xf32>
      %add3A_513 = arith.constant 0 : i32
      %add3A_514 = arith.addi %add3A_513, %scan3A_423 : i32
      %swap3A_515 = arith.index_cast %add3A_514 : i32 to index
      %swap3A_516 = arith.constant 112 : index
      %swap3A_517 = tpu.vector_load %arg13[%swap3A_515, %swap3A_516] {strides = array<i32>} : memref<128x128xf32, #tpu.memory_space<vmem>>, vector<1x16xf32>,
      %swap3A_518 = vector.shape_cast %swap3A_517 : vector<1x16xf32> to vector<16xf32>
      %swap3A_519 = vector.shape_cast %add3A_512 : vector<16xf32> to vector<1x16xf32>
      tpu.vector_store %arg13[%swap3A_515, %swap3A_516], %swap3A_519 {strides = array<i32>} : memref<128x128xf32, #tpu.memory_space<vmem>>, vector<1x16xf32>,
      %get3A_520 = arith.index_cast %scan3A_423 : i32 to index
      %get3A_521 = arith.constant 0 : index
      %get3A_522 = tpu.vector_load %arg11[%get3A_520, %get3A_521] {strides = array<i32>} : memref<64x128xf32, #tpu.memory_space<vmem>>, vector<1x16xf32>,
      %get3A_523 = vector.shape_cast %get3A_522 : vector<1x16xf32> to vector<16xf32>
      %add3A_524 = arith.addf %get3A_523, %get3A_124 : vector<16xf32>
      %add3A_525 = arith.constant 64 : i32
      %add3A_526 = arith.addi %add3A_525, %scan3A_423 : i32
      %swap3A_527 = arith.index_cast %add3A_526 : i32 to index
      %swap3A_528 = arith.constant 0 : index
      %swap3A_529 = tpu.vector_load %arg13[%swap3A_527, %swap3A_528] {strides = array<i32>} : memref<128x128xf32, #tpu.memory_space<vmem>>, vector<1x16xf32>,
      %swap3A_530 = vector.shape_cast %swap3A_529 : vector<1x16xf32> to vector<16xf32>
      %swap3A_531 = vector.shape_cast %add3A_524 : vector<16xf32> to vector<1x16xf32>
      tpu.vector_store %arg13[%swap3A_527, %swap3A_528], %swap3A_531 {strides = array<i32>} : memref<128x128xf32, #tpu.memory_space<vmem>>, vector<1x16xf32>,
      %get3A_532 = arith.index_cast %scan3A_423 : i32 to index
      %get3A_533 = arith.constant 16 : index
      %get3A_534 = tpu.vector_load %arg11[%get3A_532, %get3A_533] {strides = array<i32>} : memref<64x128xf32, #tpu.memory_space<vmem>>, vector<1x16xf32>,
      %get3A_535 = vector.shape_cast %get3A_534 : vector<1x16xf32> to vector<16xf32>
      %add3A_536 = arith.addf %get3A_535, %get3A_129 : vector<16xf32>
      %add3A_537 = arith.constant 64 : i32
      %add3A_538 = arith.addi %add3A_537, %scan3A_423 : i32
      %swap3A_539 = arith.index_cast %add3A_538 : i32 to index
      %swap3A_540 = arith.constant 16 : index
      %swap3A_541 = tpu.vector_load %arg13[%swap3A_539, %swap3A_540] {strides = array<i32>} : memref<128x128xf32, #tpu.memory_space<vmem>>, vector<1x16xf32>,
      %swap3A_542 = vector.shape_cast %swap3A_541 : vector<1x16xf32> to vector<16xf32>
      %swap3A_543 = vector.shape_cast %add3A_536 : vector<16xf32> to vector<1x16xf32>
      tpu.vector_store %arg13[%swap3A_539, %swap3A_540], %swap3A_543 {strides = array<i32>} : memref<128x128xf32, #tpu.memory_space<vmem>>, vector<1x16xf32>,
      %get3A_544 = arith.index_cast %scan3A_423 : i32 to index
      %get3A_545 = arith.constant 32 : index
      %get3A_546 = tpu.vector_load %arg11[%get3A_544, %get3A_545] {strides = array<i32>} : memref<64x128xf32, #tpu.memory_space<vmem>>, vector<1x16xf32>,
      %get3A_547 = vector.shape_cast %get3A_546 : vector<1x16xf32> to vector<16xf32>
      %add3A_548 = arith.addf %get3A_547, %get3A_134 : vector<16xf32>
      %add3A_549 = arith.constant 64 : i32
      %add3A_550 = arith.addi %add3A_549, %scan3A_423 : i32
      %swap3A_551 = arith.index_cast %add3A_550 : i32 to index
      %swap3A_552 = arith.constant 32 : index
      %swap3A_553 = tpu.vector_load %arg13[%swap3A_551, %swap3A_552] {strides = array<i32>} : memref<128x128xf32, #tpu.memory_space<vmem>>, vector<1x16xf32>,
      %swap3A_554 = vector.shape_cast %swap3A_553 : vector<1x16xf32> to vector<16xf32>
      %swap3A_555 = vector.shape_cast %add3A_548 : vector<16xf32> to vector<1x16xf32>
      tpu.vector_store %arg13[%swap3A_551, %swap3A_552], %swap3A_555 {strides = array<i32>} : memref<128x128xf32, #tpu.memory_space<vmem>>, vector<1x16xf32>,
      %get3A_556 = arith.index_cast %scan3A_423 : i32 to index
      %get3A_557 = arith.constant 48 : index
      %get3A_558 = tpu.vector_load %arg11[%get3A_556, %get3A_557] {strides = array<i32>} : memref<64x128xf32, #tpu.memory_space<vmem>>, vector<1x16xf32>,
      %get3A_559 = vector.shape_cast %get3A_558 : vector<1x16xf32> to vector<16xf32>
      %add3A_560 = arith.addf %get3A_559, %get3A_139 : vector<16xf32>
      %add3A_561 = arith.constant 64 : i32
      %add3A_562 = arith.addi %add3A_561, %scan3A_423 : i32
      %swap3A_563 = arith.index_cast %add3A_562 : i32 to index
      %swap3A_564 = arith.constant 48 : index
      %swap3A_565 = tpu.vector_load %arg13[%swap3A_563, %swap3A_564] {strides = array<i32>} : memref<128x128xf32, #tpu.memory_space<vmem>>, vector<1x16xf32>,
      %swap3A_566 = vector.shape_cast %swap3A_565 : vector<1x16xf32> to vector<16xf32>
      %swap3A_567 = vector.shape_cast %add3A_560 : vector<16xf32> to vector<1x16xf32>
      tpu.vector_store %arg13[%swap3A_563, %swap3A_564], %swap3A_567 {strides = array<i32>} : memref<128x128xf32, #tpu.memory_space<vmem>>, vector<1x16xf32>,
      %get3A_568 = arith.index_cast %scan3A_423 : i32 to index
      %get3A_569 = arith.constant 64 : index
      %get3A_570 = tpu.vector_load %arg11[%get3A_568, %get3A_569] {strides = array<i32>} : memref<64x128xf32, #tpu.memory_space<vmem>>, vector<1x16xf32>,
      %get3A_571 = vector.shape_cast %get3A_570 : vector<1x16xf32> to vector<16xf32>
      %add3A_572 = arith.addf %get3A_571, %get3A_144 : vector<16xf32>
      %add3A_573 = arith.constant 64 : i32
      %add3A_574 = arith.addi %add3A_573, %scan3A_423 : i32
      %swap3A_575 = arith.index_cast %add3A_574 : i32 to index
      %swap3A_576 = arith.constant 64 : index
      %swap3A_577 = tpu.vector_load %arg13[%swap3A_575, %swap3A_576] {strides = array<i32>} : memref<128x128xf32, #tpu.memory_space<vmem>>, vector<1x16xf32>,
      %swap3A_578 = vector.shape_cast %swap3A_577 : vector<1x16xf32> to vector<16xf32>
      %swap3A_579 = vector.shape_cast %add3A_572 : vector<16xf32> to vector<1x16xf32>
      tpu.vector_store %arg13[%swap3A_575, %swap3A_576], %swap3A_579 {strides = array<i32>} : memref<128x128xf32, #tpu.memory_space<vmem>>, vector<1x16xf32>,
      %get3A_580 = arith.index_cast %scan3A_423 : i32 to index
      %get3A_581 = arith.constant 80 : index
      %get3A_582 = tpu.vector_load %arg11[%get3A_580, %get3A_581] {strides = array<i32>} : memref<64x128xf32, #tpu.memory_space<vmem>>, vector<1x16xf32>,
      %get3A_583 = vector.shape_cast %get3A_582 : vector<1x16xf32> to vector<16xf32>
      %add3A_584 = arith.addf %get3A_583, %get3A_149 : vector<16xf32>
      %add3A_585 = arith.constant 64 : i32
      %add3A_586 = arith.addi %add3A_585, %scan3A_423 : i32
      %swap3A_587 = arith.index_cast %add3A_586 : i32 to index
      %swap3A_588 = arith.constant 80 : index
      %swap3A_589 = tpu.vector_load %arg13[%swap3A_587, %swap3A_588] {strides = array<i32>} : memref<128x128xf32, #tpu.memory_space<vmem>>, vector<1x16xf32>,
      %swap3A_590 = vector.shape_cast %swap3A_589 : vector<1x16xf32> to vector<16xf32>
      %swap3A_591 = vector.shape_cast %add3A_584 : vector<16xf32> to vector<1x16xf32>
      tpu.vector_store %arg13[%swap3A_587, %swap3A_588], %swap3A_591 {strides = array<i32>} : memref<128x128xf32, #tpu.memory_space<vmem>>, vector<1x16xf32>,
      %get3A_592 = arith.index_cast %scan3A_423 : i32 to index
      %get3A_593 = arith.constant 96 : index
      %get3A_594 = tpu.vector_load %arg11[%get3A_592, %get3A_593] {strides = array<i32>} : memref<64x128xf32, #tpu.memory_space<vmem>>, vector<1x16xf32>,
      %get3A_595 = vector.shape_cast %get3A_594 : vector<1x16xf32> to vector<16xf32>
      %add3A_596 = arith.addf %get3A_595, %get3A_154 : vector<16xf32>
      %add3A_597 = arith.constant 64 : i32
      %add3A_598 = arith.addi %add3A_597, %scan3A_423 : i32
      %swap3A_599 = arith.index_cast %add3A_598 : i32 to index
      %swap3A_600 = arith.constant 96 : index
      %swap3A_601 = tpu.vector_load %arg13[%swap3A_599, %swap3A_600] {strides = array<i32>} : memref<128x128xf32, #tpu.memory_space<vmem>>, vector<1x16xf32>,
      %swap3A_602 = vector.shape_cast %swap3A_601 : vector<1x16xf32> to vector<16xf32>
      %swap3A_603 = vector.shape_cast %add3A_596 : vector<16xf32> to vector<1x16xf32>
      tpu.vector_store %arg13[%swap3A_599, %swap3A_600], %swap3A_603 {strides = array<i32>} : memref<128x128xf32, #tpu.memory_space<vmem>>, vector<1x16xf32>,
      %get3A_604 = arith.index_cast %scan3A_423 : i32 to index
      %get3A_605 = arith.constant 112 : index
      %get3A_606 = tpu.vector_load %arg11[%get3A_604, %get3A_605] {strides = array<i32>} : memref<64x128xf32, #tpu.memory_space<vmem>>, vector<1x16xf32>,
      %get3A_607 = vector.shape_cast %get3A_606 : vector<1x16xf32> to vector<16xf32>
      %add3A_608 = arith.addf %get3A_607, %get3A_159 : vector<16xf32>
      %add3A_609 = arith.constant 64 : i32
      %add3A_610 = arith.addi %add3A_609, %scan3A_423 : i32
      %swap3A_611 = arith.index_cast %add3A_610 : i32 to index
      %swap3A_612 = arith.constant 112 : index
      %swap3A_613 = tpu.vector_load %arg13[%swap3A_611, %swap3A_612] {strides = array<i32>} : memref<128x128xf32, #tpu.memory_space<vmem>>, vector<1x16xf32>,
      %swap3A_614 = vector.shape_cast %swap3A_613 : vector<1x16xf32> to vector<16xf32>
      %swap3A_615 = vector.shape_cast %add3A_608 : vector<16xf32> to vector<1x16xf32>
      tpu.vector_store %arg13[%swap3A_611, %swap3A_612], %swap3A_615 {strides = array<i32>} : memref<128x128xf32, #tpu.memory_space<vmem>>, vector<1x16xf32>,
    }
    %scan3A_164 = arith.constant 64 : i32
    "tpu.region"() ({
      %run_scoped3A = tpu.sem_alloc : memref<!tpu.dma_semaphore, #tpu.memory_space<semaphore_mem>>
      %dma_start3A_423 = arith.constant 0 : i32
      %dma_start3A_424 = tpu.memref_slice %arg8[%mul3A_40, %dma_start3A_423] : memref<4096x128xf32, #tpu.memory_space<hbm>> -> memref<128x128xf32, #tpu.memory_space<hbm>>
      %dma_start3A_425 = arith.constant 0 : i32
      %dma_start3A_426 = tpu.memref_slice %arg8[%mul3A_40, %dma_start3A_425] : memref<4096x128xf32, #tpu.memory_space<hbm>> -> memref<128x128xf32, #tpu.memory_space<hbm>>
      tpu.enqueue_dma source(%arg13 : memref<128x128xf32, #tpu.memory_space<vmem>>) target(%dma_start3A_426 : memref<128x128xf32, #tpu.memory_space<hbm>>) target_semaphore(%run_scoped3A : memref<!tpu.dma_semaphore, #tpu.memory_space<semaphore_mem>>)
      %dma_wait3A_427 = arith.constant 0 : i32
      %dma_wait3A_428 = tpu.memref_slice %arg8[%mul3A_40, %dma_wait3A_427] : memref<4096x128xf32, #tpu.memory_space<hbm>> -> memref<128x128xf32, #tpu.memory_space<hbm>>
      %dma_wait3A_429 = arith.constant 0 : i32
      %dma_wait3A_430 = tpu.memref_slice %arg8[%mul3A_40, %dma_wait3A_429] : memref<4096x128xf32, #tpu.memory_space<hbm>> -> memref<128x128xf32, #tpu.memory_space<hbm>>
      tpu.wait_dma2 semaphore(%run_scoped3A : memref<!tpu.dma_semaphore, #tpu.memory_space<semaphore_mem>>) src(%arg13 : memref<128x128xf32, #tpu.memory_space<vmem>>) dst(%dma_wait3A_430 : memref<128x128xf32, #tpu.memory_space<hbm>>)
      tpu.yield
    }) : () -> ()
    %add3A_165 = arith.constant 0 : i32
    %add3A_166 = arith.addi %mul3A_36, %add3A_165 : i32
    %get3A_167 = arith.constant 0 : i32
    %get3A_168 = arith.index_cast %get3A_167 : i32 to index
    %get3A_169 = arith.index_cast %add3A_166 : i32 to index
    %get3A_170 = tpu.vector_load %arg10[%get3A_168, %get3A_169] {strides = array<i32>} : memref<16x128xi32, #tpu.memory_space<vmem>>, vector<1x16xi32>,
    %get3A_171 = vector.shape_cast %get3A_170 : vector<1x16xi32> to vector<16xi32>
    %add3A_172 = arith.constant 0 : i32
    %add3A_173 = arith.addi %mul3A_40, %add3A_172 : i32
    %add3A_174 = vector.broadcast %add3A_173 : i32 to vector<16xi32>
    %add3A_175 = arith.addi %add3A_174, %iota3A : vector<16xi32>
    %mul3A_176 = arith.constant 64 : i32
    %mul3A_177 = vector.broadcast %mul3A_176 : i32 to vector<16xi32>
    %mul3A_178 = arith.muli %get3A_171, %mul3A_177 : vector<16xi32>
    %add3A_179 = arith.addi %add3A_175, %mul3A_178 : vector<16xi32>
    %swap3A = arith.constant 0 : index
    %swap3A_180 = tpu.vector_load %arg14[%swap3A] {strides = array<i32>} : memref<64xi32, #tpu.memory_space<vmem>>, vector<16xi32>,
    %swap3A_181 = vector.shape_cast %swap3A_180 : vector<16xi32> to vector<16xi32>
    %swap3A_182 = vector.shape_cast %add3A_179 : vector<16xi32> to vector<16xi32>
    tpu.vector_store %arg14[%swap3A], %swap3A_182 {strides = array<i32>} : memref<64xi32, #tpu.memory_space<vmem>>, vector<16xi32>,
    %add3A_183 = arith.constant 16 : i32
    %add3A_184 = arith.addi %mul3A_36, %add3A_183 : i32
    %get3A_185 = arith.constant 0 : i32
    %get3A_186 = arith.index_cast %get3A_185 : i32 to index
    %get3A_187 = arith.index_cast %add3A_184 : i32 to index
    %get3A_188 = tpu.vector_load %arg10[%get3A_186, %get3A_187] {strides = array<i32>} : memref<16x128xi32, #tpu.memory_space<vmem>>, vector<1x16xi32>,
    %get3A_189 = vector.shape_cast %get3A_188 : vector<1x16xi32> to vector<16xi32>
    %add3A_190 = arith.constant 16 : i32
    %add3A_191 = arith.addi %mul3A_40, %add3A_190 : i32
    %add3A_192 = vector.broadcast %add3A_191 : i32 to vector<16xi32>
    %add3A_193 = arith.addi %add3A_192, %iota3A : vector<16xi32>
    %mul3A_194 = arith.constant 64 : i32
    %mul3A_195 = vector.broadcast %mul3A_194 : i32 to vector<16xi32>
    %mul3A_196 = arith.muli %get3A_189, %mul3A_195 : vector<16xi32>
    %add3A_197 = arith.addi %add3A_193, %mul3A_196 : vector<16xi32>
    %swap3A_198 = arith.constant 16 : index
    %swap3A_199 = tpu.vector_load %arg14[%swap3A_198] {strides = array<i32>} : memref<64xi32, #tpu.memory_space<vmem>>, vector<16xi32>,
    %swap3A_200 = vector.shape_cast %swap3A_199 : vector<16xi32> to vector<16xi32>
    %swap3A_201 = vector.shape_cast %add3A_197 : vector<16xi32> to vector<16xi32>
    tpu.vector_store %arg14[%swap3A_198], %swap3A_201 {strides = array<i32>} : memref<64xi32, #tpu.memory_space<vmem>>, vector<16xi32>,
    %add3A_202 = arith.constant 32 : i32
    %add3A_203 = arith.addi %mul3A_36, %add3A_202 : i32
    %get3A_204 = arith.constant 0 : i32
    %get3A_205 = arith.index_cast %get3A_204 : i32 to index
    %get3A_206 = arith.index_cast %add3A_203 : i32 to index
    %get3A_207 = tpu.vector_load %arg10[%get3A_205, %get3A_206] {strides = array<i32>} : memref<16x128xi32, #tpu.memory_space<vmem>>, vector<1x16xi32>,
    %get3A_208 = vector.shape_cast %get3A_207 : vector<1x16xi32> to vector<16xi32>
    %add3A_209 = arith.constant 32 : i32
    %add3A_210 = arith.addi %mul3A_40, %add3A_209 : i32
    %add3A_211 = vector.broadcast %add3A_210 : i32 to vector<16xi32>
    %add3A_212 = arith.addi %add3A_211, %iota3A : vector<16xi32>
    %mul3A_213 = arith.constant 64 : i32
    %mul3A_214 = vector.broadcast %mul3A_213 : i32 to vector<16xi32>
    %mul3A_215 = arith.muli %get3A_208, %mul3A_214 : vector<16xi32>
    %add3A_216 = arith.addi %add3A_212, %mul3A_215 : vector<16xi32>
    %swap3A_217 = arith.constant 32 : index
    %swap3A_218 = tpu.vector_load %arg14[%swap3A_217] {strides = array<i32>} : memref<64xi32, #tpu.memory_space<vmem>>, vector<16xi32>,
    %swap3A_219 = vector.shape_cast %swap3A_218 : vector<16xi32> to vector<16xi32>
    %swap3A_220 = vector.shape_cast %add3A_216 : vector<16xi32> to vector<16xi32>
    tpu.vector_store %arg14[%swap3A_217], %swap3A_220 {strides = array<i32>} : memref<64xi32, #tpu.memory_space<vmem>>, vector<16xi32>,
    %add3A_221 = arith.constant 48 : i32
    %add3A_222 = arith.addi %mul3A_36, %add3A_221 : i32
    %get3A_223 = arith.constant 0 : i32
    %get3A_224 = arith.index_cast %get3A_223 : i32 to index
    %get3A_225 = arith.index_cast %add3A_222 : i32 to index
    %get3A_226 = tpu.vector_load %arg10[%get3A_224, %get3A_225] {strides = array<i32>} : memref<16x128xi32, #tpu.memory_space<vmem>>, vector<1x16xi32>,
    %get3A_227 = vector.shape_cast %get3A_226 : vector<1x16xi32> to vector<16xi32>
    %add3A_228 = arith.constant 48 : i32
    %add3A_229 = arith.addi %mul3A_40, %add3A_228 : i32
    %add3A_230 = vector.broadcast %add3A_229 : i32 to vector<16xi32>
    %add3A_231 = arith.addi %add3A_230, %iota3A : vector<16xi32>
    %mul3A_232 = arith.constant 64 : i32
    %mul3A_233 = vector.broadcast %mul3A_232 : i32 to vector<16xi32>
    %mul3A_234 = arith.muli %get3A_227, %mul3A_233 : vector<16xi32>
    %add3A_235 = arith.addi %add3A_231, %mul3A_234 : vector<16xi32>
    %swap3A_236 = arith.constant 48 : index
    %swap3A_237 = tpu.vector_load %arg14[%swap3A_236] {strides = array<i32>} : memref<64xi32, #tpu.memory_space<vmem>>, vector<16xi32>,
    %swap3A_238 = vector.shape_cast %swap3A_237 : vector<16xi32> to vector<16xi32>
    %swap3A_239 = vector.shape_cast %add3A_235 : vector<16xi32> to vector<16xi32>
    tpu.vector_store %arg14[%swap3A_236], %swap3A_239 {strides = array<i32>} : memref<64xi32, #tpu.memory_space<vmem>>, vector<16xi32>,
    %dma_start3A_240 = arith.constant 0 : i32
    %dma_start3A_241 = arith.constant 0 : i32
    %dma_start3A_242 = tpu.memref_slice %arg8[%dma_start3A_240, %dma_start3A_241] : memref<4096x128xf32, #tpu.memory_space<hbm>> -> memref<4096x128xf32, #tpu.memory_space<hbm>>
    tpu.enqueue_indirect_dma source(%dma_start3A_242 : memref<4096x128xf32, #tpu.memory_space<hbm>>) target(%arg22 : memref<64x128xf32, #tpu.memory_space<vmem>>) offsets(%arg14 : memref<64xi32, #tpu.memory_space<vmem>>) semaphore(%arg27 : memref<!tpu.dma_semaphore, #tpu.memory_space<semaphore_mem>>)
    %add3A_243 = arith.constant 0 : i32
    %add3A_244 = arith.addi %mul3A_36, %add3A_243 : i32
    %get3A_245 = arith.constant 1 : i32
    %get3A_246 = arith.index_cast %get3A_245 : i32 to index
    %get3A_247 = arith.index_cast %add3A_244 : i32 to index
    %get3A_248 = tpu.vector_load %arg10[%get3A_246, %get3A_247] {strides = array<i32>} : memref<16x128xi32, #tpu.memory_space<vmem>>, vector<1x16xi32>,
    %get3A_249 = vector.shape_cast %get3A_248 : vector<1x16xi32> to vector<16xi32>
    %add3A_250 = arith.constant 0 : i32
    %add3A_251 = arith.addi %mul3A_40, %add3A_250 : i32
    %add3A_252 = vector.broadcast %add3A_251 : i32 to vector<16xi32>
    %add3A_253 = arith.addi %add3A_252, %iota3A : vector<16xi32>
    %mul3A_254 = arith.constant 64 : i32
    %mul3A_255 = vector.broadcast %mul3A_254 : i32 to vector<16xi32>
    %mul3A_256 = arith.muli %get3A_249, %mul3A_255 : vector<16xi32>
    %add3A_257 = arith.addi %add3A_253, %mul3A_256 : vector<16xi32>
    %swap3A_258 = arith.constant 0 : index
    %swap3A_259 = tpu.vector_load %arg15[%swap3A_258] {strides = array<i32>} : memref<64xi32, #tpu.memory_space<vmem>>, vector<16xi32>,
    %swap3A_260 = vector.shape_cast %swap3A_259 : vector<16xi32> to vector<16xi32>
    %swap3A_261 = vector.shape_cast %add3A_257 : vector<16xi32> to vector<16xi32>
    tpu.vector_store %arg15[%swap3A_258], %swap3A_261 {strides = array<i32>} : memref<64xi32, #tpu.memory_space<vmem>>, vector<16xi32>,
    %add3A_262 = arith.constant 16 : i32
    %add3A_263 = arith.addi %mul3A_36, %add3A_262 : i32
    %get3A_264 = arith.constant 1 : i32
    %get3A_265 = arith.index_cast %get3A_264 : i32 to index
    %get3A_266 = arith.index_cast %add3A_263 : i32 to index
    %get3A_267 = tpu.vector_load %arg10[%get3A_265, %get3A_266] {strides = array<i32>} : memref<16x128xi32, #tpu.memory_space<vmem>>, vector<1x16xi32>,
    %get3A_268 = vector.shape_cast %get3A_267 : vector<1x16xi32> to vector<16xi32>
    %add3A_269 = arith.constant 16 : i32
    %add3A_270 = arith.addi %mul3A_40, %add3A_269 : i32
    %add3A_271 = vector.broadcast %add3A_270 : i32 to vector<16xi32>
    %add3A_272 = arith.addi %add3A_271, %iota3A : vector<16xi32>
    %mul3A_273 = arith.constant 64 : i32
    %mul3A_274 = vector.broadcast %mul3A_273 : i32 to vector<16xi32>
    %mul3A_275 = arith.muli %get3A_268, %mul3A_274 : vector<16xi32>
    %add3A_276 = arith.addi %add3A_272, %mul3A_275 : vector<16xi32>
    %swap3A_277 = arith.constant 16 : index
    %swap3A_278 = tpu.vector_load %arg15[%swap3A_277] {strides = array<i32>} : memref<64xi32, #tpu.memory_space<vmem>>, vector<16xi32>,
    %swap3A_279 = vector.shape_cast %swap3A_278 : vector<16xi32> to vector<16xi32>
    %swap3A_280 = vector.shape_cast %add3A_276 : vector<16xi32> to vector<16xi32>
    tpu.vector_store %arg15[%swap3A_277], %swap3A_280 {strides = array<i32>} : memref<64xi32, #tpu.memory_space<vmem>>, vector<16xi32>,
    %add3A_281 = arith.constant 32 : i32
    %add3A_282 = arith.addi %mul3A_36, %add3A_281 : i32
    %get3A_283 = arith.constant 1 : i32
    %get3A_284 = arith.index_cast %get3A_283 : i32 to index
    %get3A_285 = arith.index_cast %add3A_282 : i32 to index
    %get3A_286 = tpu.vector_load %arg10[%get3A_284, %get3A_285] {strides = array<i32>} : memref<16x128xi32, #tpu.memory_space<vmem>>, vector<1x16xi32>,
    %get3A_287 = vector.shape_cast %get3A_286 : vector<1x16xi32> to vector<16xi32>
    %add3A_288 = arith.constant 32 : i32
    %add3A_289 = arith.addi %mul3A_40, %add3A_288 : i32
    %add3A_290 = vector.broadcast %add3A_289 : i32 to vector<16xi32>
    %add3A_291 = arith.addi %add3A_290, %iota3A : vector<16xi32>
    %mul3A_292 = arith.constant 64 : i32
    %mul3A_293 = vector.broadcast %mul3A_292 : i32 to vector<16xi32>
    %mul3A_294 = arith.muli %get3A_287, %mul3A_293 : vector<16xi32>
    %add3A_295 = arith.addi %add3A_291, %mul3A_294 : vector<16xi32>
    %swap3A_296 = arith.constant 32 : index
    %swap3A_297 = tpu.vector_load %arg15[%swap3A_296] {strides = array<i32>} : memref<64xi32, #tpu.memory_space<vmem>>, vector<16xi32>,
    %swap3A_298 = vector.shape_cast %swap3A_297 : vector<16xi32> to vector<16xi32>
    %swap3A_299 = vector.shape_cast %add3A_295 : vector<16xi32> to vector<16xi32>
    tpu.vector_store %arg15[%swap3A_296], %swap3A_299 {strides = array<i32>} : memref<64xi32, #tpu.memory_space<vmem>>, vector<16xi32>,
    %add3A_300 = arith.constant 48 : i32
    %add3A_301 = arith.addi %mul3A_36, %add3A_300 : i32
    %get3A_302 = arith.constant 1 : i32
    %get3A_303 = arith.index_cast %get3A_302 : i32 to index
    %get3A_304 = arith.index_cast %add3A_301 : i32 to index
    %get3A_305 = tpu.vector_load %arg10[%get3A_303, %get3A_304] {strides = array<i32>} : memref<16x128xi32, #tpu.memory_space<vmem>>, vector<1x16xi32>,
    %get3A_306 = vector.shape_cast %get3A_305 : vector<1x16xi32> to vector<16xi32>
    %add3A_307 = arith.constant 48 : i32
    %add3A_308 = arith.addi %mul3A_40, %add3A_307 : i32
    %add3A_309 = vector.broadcast %add3A_308 : i32 to vector<16xi32>
    %add3A_310 = arith.addi %add3A_309, %iota3A : vector<16xi32>
    %mul3A_311 = arith.constant 64 : i32
    %mul3A_312 = vector.broadcast %mul3A_311 : i32 to vector<16xi32>
    %mul3A_313 = arith.muli %get3A_306, %mul3A_312 : vector<16xi32>
    %add3A_314 = arith.addi %add3A_310, %mul3A_313 : vector<16xi32>
    %swap3A_315 = arith.constant 48 : index
    %swap3A_316 = tpu.vector_load %arg15[%swap3A_315] {strides = array<i32>} : memref<64xi32, #tpu.memory_space<vmem>>, vector<16xi32>,
    %swap3A_317 = vector.shape_cast %swap3A_316 : vector<16xi32> to vector<16xi32>
    %swap3A_318 = vector.shape_cast %add3A_314 : vector<16xi32> to vector<16xi32>
    tpu.vector_store %arg15[%swap3A_315], %swap3A_318 {strides = array<i32>} : memref<64xi32, #tpu.memory_space<vmem>>, vector<16xi32>,
    %dma_start3A_319 = arith.constant 0 : i32
    %dma_start3A_320 = arith.constant 0 : i32
    %dma_start3A_321 = tpu.memref_slice %arg8[%dma_start3A_319, %dma_start3A_320] : memref<4096x128xf32, #tpu.memory_space<hbm>> -> memref<4096x128xf32, #tpu.memory_space<hbm>>
    tpu.enqueue_indirect_dma source(%dma_start3A_321 : memref<4096x128xf32, #tpu.memory_space<hbm>>) target(%arg23 : memref<64x128xf32, #tpu.memory_space<vmem>>) offsets(%arg15 : memref<64xi32, #tpu.memory_space<vmem>>) semaphore(%arg28 : memref<!tpu.dma_semaphore, #tpu.memory_space<semaphore_mem>>)
    %add3A_322 = arith.constant 0 : i32
    %add3A_323 = arith.addi %mul3A_36, %add3A_322 : i32
    %get3A_324 = arith.constant 2 : i32
    %get3A_325 = arith.index_cast %get3A_324 : i32 to index
    %get3A_326 = arith.index_cast %add3A_323 : i32 to index
    %get3A_327 = tpu.vector_load %arg10[%get3A_325, %get3A_326] {strides = array<i32>} : memref<16x128xi32, #tpu.memory_space<vmem>>, vector<1x16xi32>,
    %get3A_328 = vector.shape_cast %get3A_327 : vector<1x16xi32> to vector<16xi32>
    %add3A_329 = arith.constant 0 : i32
    %add3A_330 = arith.addi %mul3A_40, %add3A_329 : i32
    %add3A_331 = vector.broadcast %add3A_330 : i32 to vector<16xi32>
    %add3A_332 = arith.addi %add3A_331, %iota3A : vector<16xi32>
    %mul3A_333 = arith.constant 64 : i32
    %mul3A_334 = vector.broadcast %mul3A_333 : i32 to vector<16xi32>
    %mul3A_335 = arith.muli %get3A_328, %mul3A_334 : vector<16xi32>
    %add3A_336 = arith.addi %add3A_332, %mul3A_335 : vector<16xi32>
    %swap3A_337 = arith.constant 0 : index
    %swap3A_338 = tpu.vector_load %arg16[%swap3A_337] {strides = array<i32>} : memref<64xi32, #tpu.memory_space<vmem>>, vector<16xi32>,
    %swap3A_339 = vector.shape_cast %swap3A_338 : vector<16xi32> to vector<16xi32>
    %swap3A_340 = vector.shape_cast %add3A_336 : vector<16xi32> to vector<16xi32>
    tpu.vector_store %arg16[%swap3A_337], %swap3A_340 {strides = array<i32>} : memref<64xi32, #tpu.memory_space<vmem>>, vector<16xi32>,
    %add3A_341 = arith.constant 16 : i32
    %add3A_342 = arith.addi %mul3A_36, %add3A_341 : i32
    %get3A_343 = arith.constant 2 : i32
    %get3A_344 = arith.index_cast %get3A_343 : i32 to index
    %get3A_345 = arith.index_cast %add3A_342 : i32 to index
    %get3A_346 = tpu.vector_load %arg10[%get3A_344, %get3A_345] {strides = array<i32>} : memref<16x128xi32, #tpu.memory_space<vmem>>, vector<1x16xi32>,
    %get3A_347 = vector.shape_cast %get3A_346 : vector<1x16xi32> to vector<16xi32>
    %add3A_348 = arith.constant 16 : i32
    %add3A_349 = arith.addi %mul3A_40, %add3A_348 : i32
    %add3A_350 = vector.broadcast %add3A_349 : i32 to vector<16xi32>
    %add3A_351 = arith.addi %add3A_350, %iota3A : vector<16xi32>
    %mul3A_352 = arith.constant 64 : i32
    %mul3A_353 = vector.broadcast %mul3A_352 : i32 to vector<16xi32>
    %mul3A_354 = arith.muli %get3A_347, %mul3A_353 : vector<16xi32>
    %add3A_355 = arith.addi %add3A_351, %mul3A_354 : vector<16xi32>
    %swap3A_356 = arith.constant 16 : index
    %swap3A_357 = tpu.vector_load %arg16[%swap3A_356] {strides = array<i32>} : memref<64xi32, #tpu.memory_space<vmem>>, vector<16xi32>,
    %swap3A_358 = vector.shape_cast %swap3A_357 : vector<16xi32> to vector<16xi32>
    %swap3A_359 = vector.shape_cast %add3A_355 : vector<16xi32> to vector<16xi32>
    tpu.vector_store %arg16[%swap3A_356], %swap3A_359 {strides = array<i32>} : memref<64xi32, #tpu.memory_space<vmem>>, vector<16xi32>,
    %add3A_360 = arith.constant 32 : i32
    %add3A_361 = arith.addi %mul3A_36, %add3A_360 : i32
    %get3A_362 = arith.constant 2 : i32
    %get3A_363 = arith.index_cast %get3A_362 : i32 to index
    %get3A_364 = arith.index_cast %add3A_361 : i32 to index
    %get3A_365 = tpu.vector_load %arg10[%get3A_363, %get3A_364] {strides = array<i32>} : memref<16x128xi32, #tpu.memory_space<vmem>>, vector<1x16xi32>,
    %get3A_366 = vector.shape_cast %get3A_365 : vector<1x16xi32> to vector<16xi32>
    %add3A_367 = arith.constant 32 : i32
    %add3A_368 = arith.addi %mul3A_40, %add3A_367 : i32
    %add3A_369 = vector.broadcast %add3A_368 : i32 to vector<16xi32>
    %add3A_370 = arith.addi %add3A_369, %iota3A : vector<16xi32>
    %mul3A_371 = arith.constant 64 : i32
    %mul3A_372 = vector.broadcast %mul3A_371 : i32 to vector<16xi32>
    %mul3A_373 = arith.muli %get3A_366, %mul3A_372 : vector<16xi32>
    %add3A_374 = arith.addi %add3A_370, %mul3A_373 : vector<16xi32>
    %swap3A_375 = arith.constant 32 : index
    %swap3A_376 = tpu.vector_load %arg16[%swap3A_375] {strides = array<i32>} : memref<64xi32, #tpu.memory_space<vmem>>, vector<16xi32>,
    %swap3A_377 = vector.shape_cast %swap3A_376 : vector<16xi32> to vector<16xi32>
    %swap3A_378 = vector.shape_cast %add3A_374 : vector<16xi32> to vector<16xi32>
    tpu.vector_store %arg16[%swap3A_375], %swap3A_378 {strides = array<i32>} : memref<64xi32, #tpu.memory_space<vmem>>, vector<16xi32>,
    %add3A_379 = arith.constant 48 : i32
    %add3A_380 = arith.addi %mul3A_36, %add3A_379 : i32
    %get3A_381 = arith.constant 2 : i32
    %get3A_382 = arith.index_cast %get3A_381 : i32 to index
    %get3A_383 = arith.index_cast %add3A_380 : i32 to index
    %get3A_384 = tpu.vector_load %arg10[%get3A_382, %get3A_383] {strides = array<i32>} : memref<16x128xi32, #tpu.memory_space<vmem>>, vector<1x16xi32>,
    %get3A_385 = vector.shape_cast %get3A_384 : vector<1x16xi32> to vector<16xi32>
    %add3A_386 = arith.constant 48 : i32
    %add3A_387 = arith.addi %mul3A_40, %add3A_386 : i32
    %add3A_388 = vector.broadcast %add3A_387 : i32 to vector<16xi32>
    %add3A_389 = arith.addi %add3A_388, %iota3A : vector<16xi32>
    %mul3A_390 = arith.constant 64 : i32
    %mul3A_391 = vector.broadcast %mul3A_390 : i32 to vector<16xi32>
    %mul3A_392 = arith.muli %get3A_385, %mul3A_391 : vector<16xi32>
    %add3A_393 = arith.addi %add3A_389, %mul3A_392 : vector<16xi32>
    %swap3A_394 = arith.constant 48 : index
    %swap3A_395 = tpu.vector_load %arg16[%swap3A_394] {strides = array<i32>} : memref<64xi32, #tpu.memory_space<vmem>>, vector<16xi32>,
    %swap3A_396 = vector.shape_cast %swap3A_395 : vector<16xi32> to vector<16xi32>
    %swap3A_397 = vector.shape_cast %add3A_393 : vector<16xi32> to vector<16xi32>
    tpu.vector_store %arg16[%swap3A_394], %swap3A_397 {strides = array<i32>} : memref<64xi32, #tpu.memory_space<vmem>>, vector<16xi32>,
    %dma_start3A_398 = arith.constant 0 : i32
    %dma_start3A_399 = arith.constant 0 : i32
    %dma_start3A_400 = tpu.memref_slice %arg8[%dma_start3A_398, %dma_start3A_399] : memref<4096x128xf32, #tpu.memory_space<hbm>> -> memref<4096x128xf32, #tpu.memory_space<hbm>>
    tpu.enqueue_indirect_dma source(%dma_start3A_400 : memref<4096x128xf32, #tpu.memory_space<hbm>>) target(%arg24 : memref<64x128xf32, #tpu.memory_space<vmem>>) offsets(%arg16 : memref<64xi32, #tpu.memory_space<vmem>>) semaphore(%arg29 : memref<!tpu.dma_semaphore, #tpu.memory_space<semaphore_mem>>)
    %scan3A_401 = arith.constant 0 : i32
    %scan3A_402 = arith.constant 0 : i32
    %scan3A_403 = arith.constant 4 : i32
    %scan3A_404 = arith.addi %scan3A_402, %scan3A_403 : i32
    %scan3A_405 = arith.constant 1 : i32
    scf.for %scan3A_423 = %scan3A_402 to %scan3A_404 step %scan3A_405  : i32 {
      %mul3A_424 = arith.constant 4 : i32
      %mul3A_425 = arith.muli %mul3A_424, %scan3A_423 : i32
      %add3A_426 = arith.constant 0 : i32
      %add3A_427 = arith.addi %mul3A_425, %add3A_426 : i32
      %add3A_428 = arith.constant 4 : i32
      %add3A_429 = arith.addi %add3A_427, %add3A_428 : i32
      %sub3A_430 = arith.constant 1 : i32
      %sub3A_431 = arith.subi %add3A_429, %sub3A_430 : i32
      %lt3A_432 = arith.constant 16 : i32
      %lt3A_433 = arith.cmpi slt, %sub3A_431, %lt3A_432 : i32
      %convert_element_type3A = arith.extui %lt3A_433 : i1 to i32
      %cond3A = arith.constant 0 : i32
      %cond3A_434 = arith.cmpi ne, %convert_element_type3A, %cond3A : i32
      scf.if %cond3A_434 {
        %add3A_558 = arith.constant 4 : i32
        %add3A_559 = arith.addi %add3A_427, %add3A_558 : i32
        %sub3A_560 = arith.constant 1 : i32
        %sub3A_561 = arith.subi %add3A_559, %sub3A_560 : i32
        %gt3A = arith.constant 0 : i32
        %gt3A_562 = arith.cmpi sgt, %scan3A_423, %gt3A : i32
        %convert_element_type3A_563 = arith.extui %gt3A_562 : i1 to i32
        %cond3A_564 = arith.constant 0 : i32
        %cond3A_565 = arith.cmpi ne, %convert_element_type3A_563, %cond3A_564 : i32
        scf.if %cond3A_565 {
          %sub3A_646 = arith.constant 4 : i32
          %sub3A_647 = arith.subi %sub3A_561, %sub3A_646 : i32
          %mul3A_648 = arith.constant 2048 : i32
          %mul3A_649 = arith.muli %sub3A_647, %mul3A_648 : i32
          %add3A_650 = arith.addi %mul3A_649, %mul3A_2 : i32
          %dma_wait3A_651 = arith.constant 0 : i32
          %dma_wait3A_652 = tpu.memref_slice %arg7[%add3A_650, %dma_wait3A_651] : memref<32768x128xf32, #tpu.memory_space<hbm>> -> memref<64x128xf32, #tpu.memory_space<hbm>>
          %dma_wait3A_653 = arith.constant 0 : i32
          %dma_wait3A_654 = tpu.memref_slice %arg7[%add3A_650, %dma_wait3A_653] : memref<32768x128xf32, #tpu.memory_space<hbm>> -> memref<64x128xf32, #tpu.memory_space<hbm>>
          tpu.wait_dma2 semaphore(%arg34 : memref<!tpu.dma_semaphore, #tpu.memory_space<semaphore_mem>>) src(%arg25 : memref<64x128xf32, #tpu.memory_space<vmem>>) dst(%dma_wait3A_654 : memref<64x128xf32, #tpu.memory_space<hbm>>)
        } else {
        }
        %dma_start3A_566 = tpu.memref_slice %arg9[%sub3A_561, %mul3A_36] : memref<16x128xi32, #tpu.memory_space<vmem>> -> memref<1x64xi32, #tpu.memory_space<vmem>>
        %dma_start3A_567 = tpu.memref_squeeze %dma_start3A_566 : memref<1x64xi32, #tpu.memory_space<vmem>> -> memref<64xi32, #tpu.memory_space<vmem>>
        %dma_start3A_568 = arith.constant 0 : i32
        %dma_start3A_569 = arith.constant 0 : i32
        %dma_start3A_570 = tpu.memref_slice %arg5[%dma_start3A_568, %dma_start3A_569] : memref<100000x128xf32, #tpu.memory_space<hbm>> -> memref<100000x128xf32, #tpu.memory_space<hbm>>
        tpu.enqueue_indirect_dma source(%dma_start3A_570 : memref<100000x128xf32, #tpu.memory_space<hbm>>) target(%arg21 : memref<64x128xf32, #tpu.memory_space<vmem>>) offsets(%dma_start3A_567 : memref<64xi32, #tpu.memory_space<vmem>>) semaphore(%arg30 : memref<!tpu.dma_semaphore, #tpu.memory_space<semaphore_mem>>)
        %add3A_571 = arith.constant 0 : i32
        %add3A_572 = arith.addi %mul3A_36, %add3A_571 : i32
        %get3A_573 = arith.index_cast %sub3A_561 : i32 to index
        %get3A_574 = arith.index_cast %add3A_572 : i32 to index
        %get3A_575 = tpu.vector_load %arg10[%get3A_573, %get3A_574] {strides = array<i32>} : memref<16x128xi32, #tpu.memory_space<vmem>>, vector<1x16xi32>,
        %get3A_576 = vector.shape_cast %get3A_575 : vector<1x16xi32> to vector<16xi32>
        %add3A_577 = arith.constant 0 : i32
        %add3A_578 = arith.addi %mul3A_40, %add3A_577 : i32
        %add3A_579 = vector.broadcast %add3A_578 : i32 to vector<16xi32>
        %add3A_580 = arith.addi %add3A_579, %iota3A : vector<16xi32>
        %mul3A_581 = arith.constant 64 : i32
        %mul3A_582 = vector.broadcast %mul3A_581 : i32 to vector<16xi32>
        %mul3A_583 = arith.muli %get3A_576, %mul3A_582 : vector<16xi32>
        %add3A_584 = arith.addi %add3A_580, %mul3A_583 : vector<16xi32>
        %swap3A_585 = arith.constant 0 : index
        %swap3A_586 = tpu.vector_load %arg17[%swap3A_585] {strides = array<i32>} : memref<64xi32, #tpu.memory_space<vmem>>, vector<16xi32>,
        %swap3A_587 = vector.shape_cast %swap3A_586 : vector<16xi32> to vector<16xi32>
        %swap3A_588 = vector.shape_cast %add3A_584 : vector<16xi32> to vector<16xi32>
        tpu.vector_store %arg17[%swap3A_585], %swap3A_588 {strides = array<i32>} : memref<64xi32, #tpu.memory_space<vmem>>, vector<16xi32>,
        %add3A_589 = arith.constant 16 : i32
        %add3A_590 = arith.addi %mul3A_36, %add3A_589 : i32
        %get3A_591 = arith.index_cast %sub3A_561 : i32 to index
        %get3A_592 = arith.index_cast %add3A_590 : i32 to index
        %get3A_593 = tpu.vector_load %arg10[%get3A_591, %get3A_592] {strides = array<i32>} : memref<16x128xi32, #tpu.memory_space<vmem>>, vector<1x16xi32>,
        %get3A_594 = vector.shape_cast %get3A_593 : vector<1x16xi32> to vector<16xi32>
        %add3A_595 = arith.constant 16 : i32
        %add3A_596 = arith.addi %mul3A_40, %add3A_595 : i32
        %add3A_597 = vector.broadcast %add3A_596 : i32 to vector<16xi32>
        %add3A_598 = arith.addi %add3A_597, %iota3A : vector<16xi32>
        %mul3A_599 = arith.constant 64 : i32
        %mul3A_600 = vector.broadcast %mul3A_599 : i32 to vector<16xi32>
        %mul3A_601 = arith.muli %get3A_594, %mul3A_600 : vector<16xi32>
        %add3A_602 = arith.addi %add3A_598, %mul3A_601 : vector<16xi32>
        %swap3A_603 = arith.constant 16 : index
        %swap3A_604 = tpu.vector_load %arg17[%swap3A_603] {strides = array<i32>} : memref<64xi32, #tpu.memory_space<vmem>>, vector<16xi32>,
        %swap3A_605 = vector.shape_cast %swap3A_604 : vector<16xi32> to vector<16xi32>
        %swap3A_606 = vector.shape_cast %add3A_602 : vector<16xi32> to vector<16xi32>
        tpu.vector_store %arg17[%swap3A_603], %swap3A_606 {strides = array<i32>} : memref<64xi32, #tpu.memory_space<vmem>>, vector<16xi32>,
        %add3A_607 = arith.constant 32 : i32
        %add3A_608 = arith.addi %mul3A_36, %add3A_607 : i32
        %get3A_609 = arith.index_cast %sub3A_561 : i32 to index
        %get3A_610 = arith.index_cast %add3A_608 : i32 to index
        %get3A_611 = tpu.vector_load %arg10[%get3A_609, %get3A_610] {strides = array<i32>} : memref<16x128xi32, #tpu.memory_space<vmem>>, vector<1x16xi32>,
        %get3A_612 = vector.shape_cast %get3A_611 : vector<1x16xi32> to vector<16xi32>
        %add3A_613 = arith.constant 32 : i32
        %add3A_614 = arith.addi %mul3A_40, %add3A_613 : i32
        %add3A_615 = vector.broadcast %add3A_614 : i32 to vector<16xi32>
        %add3A_616 = arith.addi %add3A_615, %iota3A : vector<16xi32>
        %mul3A_617 = arith.constant 64 : i32
        %mul3A_618 = vector.broadcast %mul3A_617 : i32 to vector<16xi32>
        %mul3A_619 = arith.muli %get3A_612, %mul3A_618 : vector<16xi32>
        %add3A_620 = arith.addi %add3A_616, %mul3A_619 : vector<16xi32>
        %swap3A_621 = arith.constant 32 : index
        %swap3A_622 = tpu.vector_load %arg17[%swap3A_621] {strides = array<i32>} : memref<64xi32, #tpu.memory_space<vmem>>, vector<16xi32>,
        %swap3A_623 = vector.shape_cast %swap3A_622 : vector<16xi32> to vector<16xi32>
        %swap3A_624 = vector.shape_cast %add3A_620 : vector<16xi32> to vector<16xi32>
        tpu.vector_store %arg17[%swap3A_621], %swap3A_624 {strides = array<i32>} : memref<64xi32, #tpu.memory_space<vmem>>, vector<16xi32>,
        %add3A_625 = arith.constant 48 : i32
        %add3A_626 = arith.addi %mul3A_36, %add3A_625 : i32
        %get3A_627 = arith.index_cast %sub3A_561 : i32 to index
        %get3A_628 = arith.index_cast %add3A_626 : i32 to index
        %get3A_629 = tpu.vector_load %arg10[%get3A_627, %get3A_628] {strides = array<i32>} : memref<16x128xi32, #tpu.memory_space<vmem>>, vector<1x16xi32>,
        %get3A_630 = vector.shape_cast %get3A_629 : vector<1x16xi32> to vector<16xi32>
        %add3A_631 = arith.constant 48 : i32
        %add3A_632 = arith.addi %mul3A_40, %add3A_631 : i32
        %add3A_633 = vector.broadcast %add3A_632 : i32 to vector<16xi32>
        %add3A_634 = arith.addi %add3A_633, %iota3A : vector<16xi32>
        %mul3A_635 = arith.constant 64 : i32
        %mul3A_636 = vector.broadcast %mul3A_635 : i32 to vector<16xi32>
        %mul3A_637 = arith.muli %get3A_630, %mul3A_636 : vector<16xi32>
        %add3A_638 = arith.addi %add3A_634, %mul3A_637 : vector<16xi32>
        %swap3A_639 = arith.constant 48 : index
        %swap3A_640 = tpu.vector_load %arg17[%swap3A_639] {strides = array<i32>} : memref<64xi32, #tpu.memory_space<vmem>>, vector<16xi32>,
        %swap3A_641 = vector.shape_cast %swap3A_640 : vector<16xi32> to vector<16xi32>
        %swap3A_642 = vector.shape_cast %add3A_638 : vector<16xi32> to vector<16xi32>
        tpu.vector_store %arg17[%swap3A_639], %swap3A_642 {strides = array<i32>} : memref<64xi32, #tpu.memory_space<vmem>>, vector<16xi32>,
        %dma_start3A_643 = arith.constant 0 : i32
        %dma_start3A_644 = arith.constant 0 : i32
        %dma_start3A_645 = tpu.memref_slice %arg8[%dma_start3A_643, %dma_start3A_644] : memref<4096x128xf32, #tpu.memory_space<hbm>> -> memref<4096x128xf32, #tpu.memory_space<hbm>>
        tpu.enqueue_indirect_dma source(%dma_start3A_645 : memref<4096x128xf32, #tpu.memory_space<hbm>>) target(%arg25 : memref<64x128xf32, #tpu.memory_space<vmem>>) offsets(%arg17 : memref<64xi32, #tpu.memory_space<vmem>>) semaphore(%arg30 : memref<!tpu.dma_semaphore, #tpu.memory_space<semaphore_mem>>)
      } else {
      }
      %dma_wait3A_435 = tpu.memref_slice %arg9[%add3A_427, %mul3A_36] : memref<16x128xi32, #tpu.memory_space<vmem>> -> memref<1x64xi32, #tpu.memory_space<vmem>>
      %dma_wait3A_436 = tpu.memref_squeeze %dma_wait3A_435 : memref<1x64xi32, #tpu.memory_space<vmem>> -> memref<64xi32, #tpu.memory_space<vmem>>
      %dma_wait3A_437 = arith.constant 0 : i32
      %dma_wait3A_438 = arith.constant 0 : i32
      %dma_wait3A_439 = tpu.memref_slice %arg5[%dma_wait3A_437, %dma_wait3A_438] : memref<100000x128xf32, #tpu.memory_space<hbm>> -> memref<100000x128xf32, #tpu.memory_space<hbm>>
      tpu.wait_indirect_dma semaphore(%arg27 : memref<!tpu.dma_semaphore, #tpu.memory_space<semaphore_mem>>) src(%dma_wait3A_439 : memref<100000x128xf32, #tpu.memory_space<hbm>>) dst(%arg18 : memref<64x128xf32, #tpu.memory_space<vmem>>)
      %dma_wait3A_440 = arith.constant 0 : i32
      %dma_wait3A_441 = arith.constant 0 : i32
      %dma_wait3A_442 = tpu.memref_slice %arg8[%dma_wait3A_440, %dma_wait3A_441] : memref<4096x128xf32, #tpu.memory_space<hbm>> -> memref<4096x128xf32, #tpu.memory_space<hbm>>
      tpu.wait_indirect_dma semaphore(%arg27 : memref<!tpu.dma_semaphore, #tpu.memory_space<semaphore_mem>>) src(%dma_wait3A_442 : memref<4096x128xf32, #tpu.memory_space<hbm>>) dst(%arg22 : memref<64x128xf32, #tpu.memory_space<vmem>>)
      %scan3A_443 = arith.constant 0 : i32
      %scan3A_444 = arith.constant 0 : i32
      %scan3A_445 = arith.constant 64 : i32
      %scan3A_446 = arith.addi %scan3A_444, %scan3A_445 : i32
      %scan3A_447 = arith.constant 1 : i32
      scf.for %scan3A_558 = %scan3A_444 to %scan3A_446 step %scan3A_447  : i32 {
        %get3A_559 = arith.index_cast %scan3A_558 : i32 to index
        %get3A_560 = arith.constant 0 : index
        %get3A_561 = tpu.vector_load %arg18[%get3A_559, %get3A_560] {strides = array<i32>} : memref<64x128xf32, #tpu.memory_space<vmem>>, vector<1x16xf32>,
        %get3A_562 = vector.shape_cast %get3A_561 : vector<1x16xf32> to vector<16xf32>
        %get3A_563 = arith.index_cast %scan3A_558 : i32 to index
        %get3A_564 = arith.constant 0 : index
        %get3A_565 = tpu.vector_load %arg22[%get3A_563, %get3A_564] {strides = array<i32>} : memref<64x128xf32, #tpu.memory_space<vmem>>, vector<1x16xf32>,
        %get3A_566 = vector.shape_cast %get3A_565 : vector<1x16xf32> to vector<16xf32>
        %add3A_567 = arith.addf %get3A_562, %get3A_566 : vector<16xf32>
        %swap3A_568 = arith.index_cast %scan3A_558 : i32 to index
        %swap3A_569 = arith.constant 0 : index
        %swap3A_570 = tpu.vector_load %arg22[%swap3A_568, %swap3A_569] {strides = array<i32>} : memref<64x128xf32, #tpu.memory_space<vmem>>, vector<1x16xf32>,
        %swap3A_571 = vector.shape_cast %swap3A_570 : vector<1x16xf32> to vector<16xf32>
        %swap3A_572 = vector.shape_cast %add3A_567 : vector<16xf32> to vector<1x16xf32>
        tpu.vector_store %arg22[%swap3A_568, %swap3A_569], %swap3A_572 {strides = array<i32>} : memref<64x128xf32, #tpu.memory_space<vmem>>, vector<1x16xf32>,
        %get3A_573 = arith.index_cast %scan3A_558 : i32 to index
        %get3A_574 = arith.constant 16 : index
        %get3A_575 = tpu.vector_load %arg18[%get3A_573, %get3A_574] {strides = array<i32>} : memref<64x128xf32, #tpu.memory_space<vmem>>, vector<1x16xf32>,
        %get3A_576 = vector.shape_cast %get3A_575 : vector<1x16xf32> to vector<16xf32>
        %get3A_577 = arith.index_cast %scan3A_558 : i32 to index
        %get3A_578 = arith.constant 16 : index
        %get3A_579 = tpu.vector_load %arg22[%get3A_577, %get3A_578] {strides = array<i32>} : memref<64x128xf32, #tpu.memory_space<vmem>>, vector<1x16xf32>,
        %get3A_580 = vector.shape_cast %get3A_579 : vector<1x16xf32> to vector<16xf32>
        %add3A_581 = arith.addf %get3A_576, %get3A_580 : vector<16xf32>
        %swap3A_582 = arith.index_cast %scan3A_558 : i32 to index
        %swap3A_583 = arith.constant 16 : index
        %swap3A_584 = tpu.vector_load %arg22[%swap3A_582, %swap3A_583] {strides = array<i32>} : memref<64x128xf32, #tpu.memory_space<vmem>>, vector<1x16xf32>,
        %swap3A_585 = vector.shape_cast %swap3A_584 : vector<1x16xf32> to vector<16xf32>
        %swap3A_586 = vector.shape_cast %add3A_581 : vector<16xf32> to vector<1x16xf32>
        tpu.vector_store %arg22[%swap3A_582, %swap3A_583], %swap3A_586 {strides = array<i32>} : memref<64x128xf32, #tpu.memory_space<vmem>>, vector<1x16xf32>,
        %get3A_587 = arith.index_cast %scan3A_558 : i32 to index
        %get3A_588 = arith.constant 32 : index
        %get3A_589 = tpu.vector_load %arg18[%get3A_587, %get3A_588] {strides = array<i32>} : memref<64x128xf32, #tpu.memory_space<vmem>>, vector<1x16xf32>,
        %get3A_590 = vector.shape_cast %get3A_589 : vector<1x16xf32> to vector<16xf32>
        %get3A_591 = arith.index_cast %scan3A_558 : i32 to index
        %get3A_592 = arith.constant 32 : index
        %get3A_593 = tpu.vector_load %arg22[%get3A_591, %get3A_592] {strides = array<i32>} : memref<64x128xf32, #tpu.memory_space<vmem>>, vector<1x16xf32>,
        %get3A_594 = vector.shape_cast %get3A_593 : vector<1x16xf32> to vector<16xf32>
        %add3A_595 = arith.addf %get3A_590, %get3A_594 : vector<16xf32>
        %swap3A_596 = arith.index_cast %scan3A_558 : i32 to index
        %swap3A_597 = arith.constant 32 : index
        %swap3A_598 = tpu.vector_load %arg22[%swap3A_596, %swap3A_597] {strides = array<i32>} : memref<64x128xf32, #tpu.memory_space<vmem>>, vector<1x16xf32>,
        %swap3A_599 = vector.shape_cast %swap3A_598 : vector<1x16xf32> to vector<16xf32>
        %swap3A_600 = vector.shape_cast %add3A_595 : vector<16xf32> to vector<1x16xf32>
        tpu.vector_store %arg22[%swap3A_596, %swap3A_597], %swap3A_600 {strides = array<i32>} : memref<64x128xf32, #tpu.memory_space<vmem>>, vector<1x16xf32>,
        %get3A_601 = arith.index_cast %scan3A_558 : i32 to index
        %get3A_602 = arith.constant 48 : index
        %get3A_603 = tpu.vector_load %arg18[%get3A_601, %get3A_602] {strides = array<i32>} : memref<64x128xf32, #tpu.memory_space<vmem>>, vector<1x16xf32>,
        %get3A_604 = vector.shape_cast %get3A_603 : vector<1x16xf32> to vector<16xf32>
        %get3A_605 = arith.index_cast %scan3A_558 : i32 to index
        %get3A_606 = arith.constant 48 : index
        %get3A_607 = tpu.vector_load %arg22[%get3A_605, %get3A_606] {strides = array<i32>} : memref<64x128xf32, #tpu.memory_space<vmem>>, vector<1x16xf32>,
        %get3A_608 = vector.shape_cast %get3A_607 : vector<1x16xf32> to vector<16xf32>
        %add3A_609 = arith.addf %get3A_604, %get3A_608 : vector<16xf32>
        %swap3A_610 = arith.index_cast %scan3A_558 : i32 to index
        %swap3A_611 = arith.constant 48 : index
        %swap3A_612 = tpu.vector_load %arg22[%swap3A_610, %swap3A_611] {strides = array<i32>} : memref<64x128xf32, #tpu.memory_space<vmem>>, vector<1x16xf32>,
        %swap3A_613 = vector.shape_cast %swap3A_612 : vector<1x16xf32> to vector<16xf32>
        %swap3A_614 = vector.shape_cast %add3A_609 : vector<16xf32> to vector<1x16xf32>
        tpu.vector_store %arg22[%swap3A_610, %swap3A_611], %swap3A_614 {strides = array<i32>} : memref<64x128xf32, #tpu.memory_space<vmem>>, vector<1x16xf32>,
        %get3A_615 = arith.index_cast %scan3A_558 : i32 to index
        %get3A_616 = arith.constant 64 : index
        %get3A_617 = tpu.vector_load %arg18[%get3A_615, %get3A_616] {strides = array<i32>} : memref<64x128xf32, #tpu.memory_space<vmem>>, vector<1x16xf32>,
        %get3A_618 = vector.shape_cast %get3A_617 : vector<1x16xf32> to vector<16xf32>
        %get3A_619 = arith.index_cast %scan3A_558 : i32 to index
        %get3A_620 = arith.constant 64 : index
        %get3A_621 = tpu.vector_load %arg22[%get3A_619, %get3A_620] {strides = array<i32>} : memref<64x128xf32, #tpu.memory_space<vmem>>, vector<1x16xf32>,
        %get3A_622 = vector.shape_cast %get3A_621 : vector<1x16xf32> to vector<16xf32>
        %add3A_623 = arith.addf %get3A_618, %get3A_622 : vector<16xf32>
        %swap3A_624 = arith.index_cast %scan3A_558 : i32 to index
        %swap3A_625 = arith.constant 64 : index
        %swap3A_626 = tpu.vector_load %arg22[%swap3A_624, %swap3A_625] {strides = array<i32>} : memref<64x128xf32, #tpu.memory_space<vmem>>, vector<1x16xf32>,
        %swap3A_627 = vector.shape_cast %swap3A_626 : vector<1x16xf32> to vector<16xf32>
        %swap3A_628 = vector.shape_cast %add3A_623 : vector<16xf32> to vector<1x16xf32>
        tpu.vector_store %arg22[%swap3A_624, %swap3A_625], %swap3A_628 {strides = array<i32>} : memref<64x128xf32, #tpu.memory_space<vmem>>, vector<1x16xf32>,
        %get3A_629 = arith.index_cast %scan3A_558 : i32 to index
        %get3A_630 = arith.constant 80 : index
        %get3A_631 = tpu.vector_load %arg18[%get3A_629, %get3A_630] {strides = array<i32>} : memref<64x128xf32, #tpu.memory_space<vmem>>, vector<1x16xf32>,
        %get3A_632 = vector.shape_cast %get3A_631 : vector<1x16xf32> to vector<16xf32>
        %get3A_633 = arith.index_cast %scan3A_558 : i32 to index
        %get3A_634 = arith.constant 80 : index
        %get3A_635 = tpu.vector_load %arg22[%get3A_633, %get3A_634] {strides = array<i32>} : memref<64x128xf32, #tpu.memory_space<vmem>>, vector<1x16xf32>,
        %get3A_636 = vector.shape_cast %get3A_635 : vector<1x16xf32> to vector<16xf32>
        %add3A_637 = arith.addf %get3A_632, %get3A_636 : vector<16xf32>
        %swap3A_638 = arith.index_cast %scan3A_558 : i32 to index
        %swap3A_639 = arith.constant 80 : index
        %swap3A_640 = tpu.vector_load %arg22[%swap3A_638, %swap3A_639] {strides = array<i32>} : memref<64x128xf32, #tpu.memory_space<vmem>>, vector<1x16xf32>,
        %swap3A_641 = vector.shape_cast %swap3A_640 : vector<1x16xf32> to vector<16xf32>
        %swap3A_642 = vector.shape_cast %add3A_637 : vector<16xf32> to vector<1x16xf32>
        tpu.vector_store %arg22[%swap3A_638, %swap3A_639], %swap3A_642 {strides = array<i32>} : memref<64x128xf32, #tpu.memory_space<vmem>>, vector<1x16xf32>,
        %get3A_643 = arith.index_cast %scan3A_558 : i32 to index
        %get3A_644 = arith.constant 96 : index
        %get3A_645 = tpu.vector_load %arg18[%get3A_643, %get3A_644] {strides = array<i32>} : memref<64x128xf32, #tpu.memory_space<vmem>>, vector<1x16xf32>,
        %get3A_646 = vector.shape_cast %get3A_645 : vector<1x16xf32> to vector<16xf32>
        %get3A_647 = arith.index_cast %scan3A_558 : i32 to index
        %get3A_648 = arith.constant 96 : index
        %get3A_649 = tpu.vector_load %arg22[%get3A_647, %get3A_648] {strides = array<i32>} : memref<64x128xf32, #tpu.memory_space<vmem>>, vector<1x16xf32>,
        %get3A_650 = vector.shape_cast %get3A_649 : vector<1x16xf32> to vector<16xf32>
        %add3A_651 = arith.addf %get3A_646, %get3A_650 : vector<16xf32>
        %swap3A_652 = arith.index_cast %scan3A_558 : i32 to index
        %swap3A_653 = arith.constant 96 : index
        %swap3A_654 = tpu.vector_load %arg22[%swap3A_652, %swap3A_653] {strides = array<i32>} : memref<64x128xf32, #tpu.memory_space<vmem>>, vector<1x16xf32>,
        %swap3A_655 = vector.shape_cast %swap3A_654 : vector<1x16xf32> to vector<16xf32>
        %swap3A_656 = vector.shape_cast %add3A_651 : vector<16xf32> to vector<1x16xf32>
        tpu.vector_store %arg22[%swap3A_652, %swap3A_653], %swap3A_656 {strides = array<i32>} : memref<64x128xf32, #tpu.memory_space<vmem>>, vector<1x16xf32>,
        %get3A_657 = arith.index_cast %scan3A_558 : i32 to index
        %get3A_658 = arith.constant 112 : index
        %get3A_659 = tpu.vector_load %arg18[%get3A_657, %get3A_658] {strides = array<i32>} : memref<64x128xf32, #tpu.memory_space<vmem>>, vector<1x16xf32>,
        %get3A_660 = vector.shape_cast %get3A_659 : vector<1x16xf32> to vector<16xf32>
        %get3A_661 = arith.index_cast %scan3A_558 : i32 to index
        %get3A_662 = arith.constant 112 : index
        %get3A_663 = tpu.vector_load %arg22[%get3A_661, %get3A_662] {strides = array<i32>} : memref<64x128xf32, #tpu.memory_space<vmem>>, vector<1x16xf32>,
        %get3A_664 = vector.shape_cast %get3A_663 : vector<1x16xf32> to vector<16xf32>
        %add3A_665 = arith.addf %get3A_660, %get3A_664 : vector<16xf32>
        %swap3A_666 = arith.index_cast %scan3A_558 : i32 to index
        %swap3A_667 = arith.constant 112 : index
        %swap3A_668 = tpu.vector_load %arg22[%swap3A_666, %swap3A_667] {strides = array<i32>} : memref<64x128xf32, #tpu.memory_space<vmem>>, vector<1x16xf32>,
        %swap3A_669 = vector.shape_cast %swap3A_668 : vector<1x16xf32> to vector<16xf32>
        %swap3A_670 = vector.shape_cast %add3A_665 : vector<16xf32> to vector<1x16xf32>
        tpu.vector_store %arg22[%swap3A_666, %swap3A_667], %swap3A_670 {strides = array<i32>} : memref<64x128xf32, #tpu.memory_space<vmem>>, vector<1x16xf32>,
      }
      %scan3A_448 = arith.constant 64 : i32
      %mul3A_449 = arith.constant 2048 : i32
      %mul3A_450 = arith.muli %add3A_427, %mul3A_449 : i32
      %add3A_451 = arith.addi %mul3A_450, %mul3A_2 : i32
      %dma_start3A_452 = arith.constant 0 : i32
      %dma_start3A_453 = tpu.memref_slice %arg7[%add3A_451, %dma_start3A_452] : memref<32768x128xf32, #tpu.memory_space<hbm>> -> memref<64x128xf32, #tpu.memory_space<hbm>>
      %dma_start3A_454 = arith.constant 0 : i32
      %dma_start3A_455 = tpu.memref_slice %arg7[%add3A_451, %dma_start3A_454] : memref<32768x128xf32, #tpu.memory_space<hbm>> -> memref<64x128xf32, #tpu.memory_space<hbm>>
      tpu.enqueue_dma source(%arg22 : memref<64x128xf32, #tpu.memory_space<vmem>>) target(%dma_start3A_455 : memref<64x128xf32, #tpu.memory_space<hbm>>) target_semaphore(%arg31 : memref<!tpu.dma_semaphore, #tpu.memory_space<semaphore_mem>>)
      %mul3A_456 = arith.constant 4 : i32
      %mul3A_457 = arith.muli %mul3A_456, %scan3A_423 : i32
      %add3A_458 = arith.constant 1 : i32
      %add3A_459 = arith.addi %mul3A_457, %add3A_458 : i32
      %add3A_460 = arith.constant 4 : i32
      %add3A_461 = arith.addi %add3A_459, %add3A_460 : i32
      %sub3A_462 = arith.constant 1 : i32
      %sub3A_463 = arith.subi %add3A_461, %sub3A_462 : i32
      %lt3A_464 = arith.constant 16 : i32
      %lt3A_465 = arith.cmpi slt, %sub3A_463, %lt3A_464 : i32
      %convert_element_type3A_466 = arith.extui %lt3A_465 : i1 to i32
      %cond3A_467 = arith.constant 0 : i32
      %cond3A_468 = arith.cmpi ne, %convert_element_type3A_466, %cond3A_467 : i32
      scf.if %cond3A_468 {
        %add3A_558 = arith.constant 4 : i32
        %add3A_559 = arith.addi %add3A_459, %add3A_558 : i32
        %sub3A_560 = arith.constant 1 : i32
        %sub3A_561 = arith.subi %add3A_559, %sub3A_560 : i32
        %sub3A_562 = arith.constant 4 : i32
        %sub3A_563 = arith.subi %sub3A_561, %sub3A_562 : i32
        %mul3A_564 = arith.constant 2048 : i32
        %mul3A_565 = arith.muli %sub3A_563, %mul3A_564 : i32
        %add3A_566 = arith.addi %mul3A_565, %mul3A_2 : i32
        %dma_wait3A_567 = arith.constant 0 : i32
        %dma_wait3A_568 = tpu.memref_slice %arg7[%add3A_566, %dma_wait3A_567] : memref<32768x128xf32, #tpu.memory_space<hbm>> -> memref<64x128xf32, #tpu.memory_space<hbm>>
        %dma_wait3A_569 = arith.constant 0 : i32
        %dma_wait3A_570 = tpu.memref_slice %arg7[%add3A_566, %dma_wait3A_569] : memref<32768x128xf32, #tpu.memory_space<hbm>> -> memref<64x128xf32, #tpu.memory_space<hbm>>
        tpu.wait_dma2 semaphore(%arg31 : memref<!tpu.dma_semaphore, #tpu.memory_space<semaphore_mem>>) src(%arg22 : memref<64x128xf32, #tpu.memory_space<vmem>>) dst(%dma_wait3A_570 : memref<64x128xf32, #tpu.memory_space<hbm>>)
        %dma_start3A_571 = tpu.memref_slice %arg9[%sub3A_561, %mul3A_36] : memref<16x128xi32, #tpu.memory_space<vmem>> -> memref<1x64xi32, #tpu.memory_space<vmem>>
        %dma_start3A_572 = tpu.memref_squeeze %dma_start3A_571 : memref<1x64xi32, #tpu.memory_space<vmem>> -> memref<64xi32, #tpu.memory_space<vmem>>
        %dma_start3A_573 = arith.constant 0 : i32
        %dma_start3A_574 = arith.constant 0 : i32
        %dma_start3A_575 = tpu.memref_slice %arg5[%dma_start3A_573, %dma_start3A_574] : memref<100000x128xf32, #tpu.memory_space<hbm>> -> memref<100000x128xf32, #tpu.memory_space<hbm>>
        tpu.enqueue_indirect_dma source(%dma_start3A_575 : memref<100000x128xf32, #tpu.memory_space<hbm>>) target(%arg18 : memref<64x128xf32, #tpu.memory_space<vmem>>) offsets(%dma_start3A_572 : memref<64xi32, #tpu.memory_space<vmem>>) semaphore(%arg27 : memref<!tpu.dma_semaphore, #tpu.memory_space<semaphore_mem>>)
        %add3A_576 = arith.constant 0 : i32
        %add3A_577 = arith.addi %mul3A_36, %add3A_576 : i32
        %get3A_578 = arith.index_cast %sub3A_561 : i32 to index
        %get3A_579 = arith.index_cast %add3A_577 : i32 to index
        %get3A_580 = tpu.vector_load %arg10[%get3A_578, %get3A_579] {strides = array<i32>} : memref<16x128xi32, #tpu.memory_space<vmem>>, vector<1x16xi32>,
        %get3A_581 = vector.shape_cast %get3A_580 : vector<1x16xi32> to vector<16xi32>
        %add3A_582 = arith.constant 0 : i32
        %add3A_583 = arith.addi %mul3A_40, %add3A_582 : i32
        %add3A_584 = vector.broadcast %add3A_583 : i32 to vector<16xi32>
        %add3A_585 = arith.addi %add3A_584, %iota3A : vector<16xi32>
        %mul3A_586 = arith.constant 64 : i32
        %mul3A_587 = vector.broadcast %mul3A_586 : i32 to vector<16xi32>
        %mul3A_588 = arith.muli %get3A_581, %mul3A_587 : vector<16xi32>
        %add3A_589 = arith.addi %add3A_585, %mul3A_588 : vector<16xi32>
        %swap3A_590 = arith.constant 0 : index
        %swap3A_591 = tpu.vector_load %arg14[%swap3A_590] {strides = array<i32>} : memref<64xi32, #tpu.memory_space<vmem>>, vector<16xi32>,
        %swap3A_592 = vector.shape_cast %swap3A_591 : vector<16xi32> to vector<16xi32>
        %swap3A_593 = vector.shape_cast %add3A_589 : vector<16xi32> to vector<16xi32>
        tpu.vector_store %arg14[%swap3A_590], %swap3A_593 {strides = array<i32>} : memref<64xi32, #tpu.memory_space<vmem>>, vector<16xi32>,
        %add3A_594 = arith.constant 16 : i32
        %add3A_595 = arith.addi %mul3A_36, %add3A_594 : i32
        %get3A_596 = arith.index_cast %sub3A_561 : i32 to index
        %get3A_597 = arith.index_cast %add3A_595 : i32 to index
        %get3A_598 = tpu.vector_load %arg10[%get3A_596, %get3A_597] {strides = array<i32>} : memref<16x128xi32, #tpu.memory_space<vmem>>, vector<1x16xi32>,
        %get3A_599 = vector.shape_cast %get3A_598 : vector<1x16xi32> to vector<16xi32>
        %add3A_600 = arith.constant 16 : i32
        %add3A_601 = arith.addi %mul3A_40, %add3A_600 : i32
        %add3A_602 = vector.broadcast %add3A_601 : i32 to vector<16xi32>
        %add3A_603 = arith.addi %add3A_602, %iota3A : vector<16xi32>
        %mul3A_604 = arith.constant 64 : i32
        %mul3A_605 = vector.broadcast %mul3A_604 : i32 to vector<16xi32>
        %mul3A_606 = arith.muli %get3A_599, %mul3A_605 : vector<16xi32>
        %add3A_607 = arith.addi %add3A_603, %mul3A_606 : vector<16xi32>
        %swap3A_608 = arith.constant 16 : index
        %swap3A_609 = tpu.vector_load %arg14[%swap3A_608] {strides = array<i32>} : memref<64xi32, #tpu.memory_space<vmem>>, vector<16xi32>,
        %swap3A_610 = vector.shape_cast %swap3A_609 : vector<16xi32> to vector<16xi32>
        %swap3A_611 = vector.shape_cast %add3A_607 : vector<16xi32> to vector<16xi32>
        tpu.vector_store %arg14[%swap3A_608], %swap3A_611 {strides = array<i32>} : memref<64xi32, #tpu.memory_space<vmem>>, vector<16xi32>,
        %add3A_612 = arith.constant 32 : i32
        %add3A_613 = arith.addi %mul3A_36, %add3A_612 : i32
        %get3A_614 = arith.index_cast %sub3A_561 : i32 to index
        %get3A_615 = arith.index_cast %add3A_613 : i32 to index
        %get3A_616 = tpu.vector_load %arg10[%get3A_614, %get3A_615] {strides = array<i32>} : memref<16x128xi32, #tpu.memory_space<vmem>>, vector<1x16xi32>,
        %get3A_617 = vector.shape_cast %get3A_616 : vector<1x16xi32> to vector<16xi32>
        %add3A_618 = arith.constant 32 : i32
        %add3A_619 = arith.addi %mul3A_40, %add3A_618 : i32
        %add3A_620 = vector.broadcast %add3A_619 : i32 to vector<16xi32>
        %add3A_621 = arith.addi %add3A_620, %iota3A : vector<16xi32>
        %mul3A_622 = arith.constant 64 : i32
        %mul3A_623 = vector.broadcast %mul3A_622 : i32 to vector<16xi32>
        %mul3A_624 = arith.muli %get3A_617, %mul3A_623 : vector<16xi32>
        %add3A_625 = arith.addi %add3A_621, %mul3A_624 : vector<16xi32>
        %swap3A_626 = arith.constant 32 : index
        %swap3A_627 = tpu.vector_load %arg14[%swap3A_626] {strides = array<i32>} : memref<64xi32, #tpu.memory_space<vmem>>, vector<16xi32>,
        %swap3A_628 = vector.shape_cast %swap3A_627 : vector<16xi32> to vector<16xi32>
        %swap3A_629 = vector.shape_cast %add3A_625 : vector<16xi32> to vector<16xi32>
        tpu.vector_store %arg14[%swap3A_626], %swap3A_629 {strides = array<i32>} : memref<64xi32, #tpu.memory_space<vmem>>, vector<16xi32>,
        %add3A_630 = arith.constant 48 : i32
        %add3A_631 = arith.addi %mul3A_36, %add3A_630 : i32
        %get3A_632 = arith.index_cast %sub3A_561 : i32 to index
        %get3A_633 = arith.index_cast %add3A_631 : i32 to index
        %get3A_634 = tpu.vector_load %arg10[%get3A_632, %get3A_633] {strides = array<i32>} : memref<16x128xi32, #tpu.memory_space<vmem>>, vector<1x16xi32>,
        %get3A_635 = vector.shape_cast %get3A_634 : vector<1x16xi32> to vector<16xi32>
        %add3A_636 = arith.constant 48 : i32
        %add3A_637 = arith.addi %mul3A_40, %add3A_636 : i32
        %add3A_638 = vector.broadcast %add3A_637 : i32 to vector<16xi32>
        %add3A_639 = arith.addi %add3A_638, %iota3A : vector<16xi32>
        %mul3A_640 = arith.constant 64 : i32
        %mul3A_641 = vector.broadcast %mul3A_640 : i32 to vector<16xi32>
        %mul3A_642 = arith.muli %get3A_635, %mul3A_641 : vector<16xi32>
        %add3A_643 = arith.addi %add3A_639, %mul3A_642 : vector<16xi32>
        %swap3A_644 = arith.constant 48 : index
        %swap3A_645 = tpu.vector_load %arg14[%swap3A_644] {strides = array<i32>} : memref<64xi32, #tpu.memory_space<vmem>>, vector<16xi32>,
        %swap3A_646 = vector.shape_cast %swap3A_645 : vector<16xi32> to vector<16xi32>
        %swap3A_647 = vector.shape_cast %add3A_643 : vector<16xi32> to vector<16xi32>
        tpu.vector_store %arg14[%swap3A_644], %swap3A_647 {strides = array<i32>} : memref<64xi32, #tpu.memory_space<vmem>>, vector<16xi32>,
        %dma_start3A_648 = arith.constant 0 : i32
        %dma_start3A_649 = arith.constant 0 : i32
        %dma_start3A_650 = tpu.memref_slice %arg8[%dma_start3A_648, %dma_start3A_649] : memref<4096x128xf32, #tpu.memory_space<hbm>> -> memref<4096x128xf32, #tpu.memory_space<hbm>>
        tpu.enqueue_indirect_dma source(%dma_start3A_650 : memref<4096x128xf32, #tpu.memory_space<hbm>>) target(%arg22 : memref<64x128xf32, #tpu.memory_space<vmem>>) offsets(%arg14 : memref<64xi32, #tpu.memory_space<vmem>>) semaphore(%arg27 : memref<!tpu.dma_semaphore, #tpu.memory_space<semaphore_mem>>)
      } else {
      }
      %dma_wait3A_469 = tpu.memref_slice %arg9[%add3A_459, %mul3A_36] : memref<16x128xi32, #tpu.memory_space<vmem>> -> memref<1x64xi32, #tpu.memory_space<vmem>>
      %dma_wait3A_470 = tpu.memref_squeeze %dma_wait3A_469 : memref<1x64xi32, #tpu.memory_space<vmem>> -> memref<64xi32, #tpu.memory_space<vmem>>
      %dma_wait3A_471 = arith.constant 0 : i32
      %dma_wait3A_472 = arith.constant 0 : i32
      %dma_wait3A_473 = tpu.memref_slice %arg5[%dma_wait3A_471, %dma_wait3A_472] : memref<100000x128xf32, #tpu.memory_space<hbm>> -> memref<100000x128xf32, #tpu.memory_space<hbm>>
      tpu.wait_indirect_dma semaphore(%arg28 : memref<!tpu.dma_semaphore, #tpu.memory_space<semaphore_mem>>) src(%dma_wait3A_473 : memref<100000x128xf32, #tpu.memory_space<hbm>>) dst(%arg19 : memref<64x128xf32, #tpu.memory_space<vmem>>)
      %dma_wait3A_474 = arith.constant 0 : i32
      %dma_wait3A_475 = arith.constant 0 : i32
      %dma_wait3A_476 = tpu.memref_slice %arg8[%dma_wait3A_474, %dma_wait3A_475] : memref<4096x128xf32, #tpu.memory_space<hbm>> -> memref<4096x128xf32, #tpu.memory_space<hbm>>
      tpu.wait_indirect_dma semaphore(%arg28 : memref<!tpu.dma_semaphore, #tpu.memory_space<semaphore_mem>>) src(%dma_wait3A_476 : memref<4096x128xf32, #tpu.memory_space<hbm>>) dst(%arg23 : memref<64x128xf32, #tpu.memory_space<vmem>>)
      %scan3A_477 = arith.constant 0 : i32
      %scan3A_478 = arith.constant 0 : i32
      %scan3A_479 = arith.constant 64 : i32
      %scan3A_480 = arith.addi %scan3A_478, %scan3A_479 : i32
      %scan3A_481 = arith.constant 1 : i32
      scf.for %scan3A_558 = %scan3A_478 to %scan3A_480 step %scan3A_481  : i32 {
        %get3A_559 = arith.index_cast %scan3A_558 : i32 to index
        %get3A_560 = arith.constant 0 : index
        %get3A_561 = tpu.vector_load %arg19[%get3A_559, %get3A_560] {strides = array<i32>} : memref<64x128xf32, #tpu.memory_space<vmem>>, vector<1x16xf32>,
        %get3A_562 = vector.shape_cast %get3A_561 : vector<1x16xf32> to vector<16xf32>
        %get3A_563 = arith.index_cast %scan3A_558 : i32 to index
        %get3A_564 = arith.constant 0 : index
        %get3A_565 = tpu.vector_load %arg23[%get3A_563, %get3A_564] {strides = array<i32>} : memref<64x128xf32, #tpu.memory_space<vmem>>, vector<1x16xf32>,
        %get3A_566 = vector.shape_cast %get3A_565 : vector<1x16xf32> to vector<16xf32>
        %add3A_567 = arith.addf %get3A_562, %get3A_566 : vector<16xf32>
        %swap3A_568 = arith.index_cast %scan3A_558 : i32 to index
        %swap3A_569 = arith.constant 0 : index
        %swap3A_570 = tpu.vector_load %arg23[%swap3A_568, %swap3A_569] {strides = array<i32>} : memref<64x128xf32, #tpu.memory_space<vmem>>, vector<1x16xf32>,
        %swap3A_571 = vector.shape_cast %swap3A_570 : vector<1x16xf32> to vector<16xf32>
        %swap3A_572 = vector.shape_cast %add3A_567 : vector<16xf32> to vector<1x16xf32>
        tpu.vector_store %arg23[%swap3A_568, %swap3A_569], %swap3A_572 {strides = array<i32>} : memref<64x128xf32, #tpu.memory_space<vmem>>, vector<1x16xf32>,
        %get3A_573 = arith.index_cast %scan3A_558 : i32 to index
        %get3A_574 = arith.constant 16 : index
        %get3A_575 = tpu.vector_load %arg19[%get3A_573, %get3A_574] {strides = array<i32>} : memref<64x128xf32, #tpu.memory_space<vmem>>, vector<1x16xf32>,
        %get3A_576 = vector.shape_cast %get3A_575 : vector<1x16xf32> to vector<16xf32>
        %get3A_577 = arith.index_cast %scan3A_558 : i32 to index
        %get3A_578 = arith.constant 16 : index
        %get3A_579 = tpu.vector_load %arg23[%get3A_577, %get3A_578] {strides = array<i32>} : memref<64x128xf32, #tpu.memory_space<vmem>>, vector<1x16xf32>,
        %get3A_580 = vector.shape_cast %get3A_579 : vector<1x16xf32> to vector<16xf32>
        %add3A_581 = arith.addf %get3A_576, %get3A_580 : vector<16xf32>
        %swap3A_582 = arith.index_cast %scan3A_558 : i32 to index
        %swap3A_583 = arith.constant 16 : index
        %swap3A_584 = tpu.vector_load %arg23[%swap3A_582, %swap3A_583] {strides = array<i32>} : memref<64x128xf32, #tpu.memory_space<vmem>>, vector<1x16xf32>,
        %swap3A_585 = vector.shape_cast %swap3A_584 : vector<1x16xf32> to vector<16xf32>
        %swap3A_586 = vector.shape_cast %add3A_581 : vector<16xf32> to vector<1x16xf32>
        tpu.vector_store %arg23[%swap3A_582, %swap3A_583], %swap3A_586 {strides = array<i32>} : memref<64x128xf32, #tpu.memory_space<vmem>>, vector<1x16xf32>,
        %get3A_587 = arith.index_cast %scan3A_558 : i32 to index
        %get3A_588 = arith.constant 32 : index
        %get3A_589 = tpu.vector_load %arg19[%get3A_587, %get3A_588] {strides = array<i32>} : memref<64x128xf32, #tpu.memory_space<vmem>>, vector<1x16xf32>,
        %get3A_590 = vector.shape_cast %get3A_589 : vector<1x16xf32> to vector<16xf32>
        %get3A_591 = arith.index_cast %scan3A_558 : i32 to index
        %get3A_592 = arith.constant 32 : index
        %get3A_593 = tpu.vector_load %arg23[%get3A_591, %get3A_592] {strides = array<i32>} : memref<64x128xf32, #tpu.memory_space<vmem>>, vector<1x16xf32>,
        %get3A_594 = vector.shape_cast %get3A_593 : vector<1x16xf32> to vector<16xf32>
        %add3A_595 = arith.addf %get3A_590, %get3A_594 : vector<16xf32>
        %swap3A_596 = arith.index_cast %scan3A_558 : i32 to index
        %swap3A_597 = arith.constant 32 : index
        %swap3A_598 = tpu.vector_load %arg23[%swap3A_596, %swap3A_597] {strides = array<i32>} : memref<64x128xf32, #tpu.memory_space<vmem>>, vector<1x16xf32>,
        %swap3A_599 = vector.shape_cast %swap3A_598 : vector<1x16xf32> to vector<16xf32>
        %swap3A_600 = vector.shape_cast %add3A_595 : vector<16xf32> to vector<1x16xf32>
        tpu.vector_store %arg23[%swap3A_596, %swap3A_597], %swap3A_600 {strides = array<i32>} : memref<64x128xf32, #tpu.memory_space<vmem>>, vector<1x16xf32>,
        %get3A_601 = arith.index_cast %scan3A_558 : i32 to index
        %get3A_602 = arith.constant 48 : index
        %get3A_603 = tpu.vector_load %arg19[%get3A_601, %get3A_602] {strides = array<i32>} : memref<64x128xf32, #tpu.memory_space<vmem>>, vector<1x16xf32>,
        %get3A_604 = vector.shape_cast %get3A_603 : vector<1x16xf32> to vector<16xf32>
        %get3A_605 = arith.index_cast %scan3A_558 : i32 to index
        %get3A_606 = arith.constant 48 : index
        %get3A_607 = tpu.vector_load %arg23[%get3A_605, %get3A_606] {strides = array<i32>} : memref<64x128xf32, #tpu.memory_space<vmem>>, vector<1x16xf32>,
        %get3A_608 = vector.shape_cast %get3A_607 : vector<1x16xf32> to vector<16xf32>
        %add3A_609 = arith.addf %get3A_604, %get3A_608 : vector<16xf32>
        %swap3A_610 = arith.index_cast %scan3A_558 : i32 to index
        %swap3A_611 = arith.constant 48 : index
        %swap3A_612 = tpu.vector_load %arg23[%swap3A_610, %swap3A_611] {strides = array<i32>} : memref<64x128xf32, #tpu.memory_space<vmem>>, vector<1x16xf32>,
        %swap3A_613 = vector.shape_cast %swap3A_612 : vector<1x16xf32> to vector<16xf32>
        %swap3A_614 = vector.shape_cast %add3A_609 : vector<16xf32> to vector<1x16xf32>
        tpu.vector_store %arg23[%swap3A_610, %swap3A_611], %swap3A_614 {strides = array<i32>} : memref<64x128xf32, #tpu.memory_space<vmem>>, vector<1x16xf32>,
        %get3A_615 = arith.index_cast %scan3A_558 : i32 to index
        %get3A_616 = arith.constant 64 : index
        %get3A_617 = tpu.vector_load %arg19[%get3A_615, %get3A_616] {strides = array<i32>} : memref<64x128xf32, #tpu.memory_space<vmem>>, vector<1x16xf32>,
        %get3A_618 = vector.shape_cast %get3A_617 : vector<1x16xf32> to vector<16xf32>
        %get3A_619 = arith.index_cast %scan3A_558 : i32 to index
        %get3A_620 = arith.constant 64 : index
        %get3A_621 = tpu.vector_load %arg23[%get3A_619, %get3A_620] {strides = array<i32>} : memref<64x128xf32, #tpu.memory_space<vmem>>, vector<1x16xf32>,
        %get3A_622 = vector.shape_cast %get3A_621 : vector<1x16xf32> to vector<16xf32>
        %add3A_623 = arith.addf %get3A_618, %get3A_622 : vector<16xf32>
        %swap3A_624 = arith.index_cast %scan3A_558 : i32 to index
        %swap3A_625 = arith.constant 64 : index
        %swap3A_626 = tpu.vector_load %arg23[%swap3A_624, %swap3A_625] {strides = array<i32>} : memref<64x128xf32, #tpu.memory_space<vmem>>, vector<1x16xf32>,
        %swap3A_627 = vector.shape_cast %swap3A_626 : vector<1x16xf32> to vector<16xf32>
        %swap3A_628 = vector.shape_cast %add3A_623 : vector<16xf32> to vector<1x16xf32>
        tpu.vector_store %arg23[%swap3A_624, %swap3A_625], %swap3A_628 {strides = array<i32>} : memref<64x128xf32, #tpu.memory_space<vmem>>, vector<1x16xf32>,
        %get3A_629 = arith.index_cast %scan3A_558 : i32 to index
        %get3A_630 = arith.constant 80 : index
        %get3A_631 = tpu.vector_load %arg19[%get3A_629, %get3A_630] {strides = array<i32>} : memref<64x128xf32, #tpu.memory_space<vmem>>, vector<1x16xf32>,
        %get3A_632 = vector.shape_cast %get3A_631 : vector<1x16xf32> to vector<16xf32>
        %get3A_633 = arith.index_cast %scan3A_558 : i32 to index
        %get3A_634 = arith.constant 80 : index
        %get3A_635 = tpu.vector_load %arg23[%get3A_633, %get3A_634] {strides = array<i32>} : memref<64x128xf32, #tpu.memory_space<vmem>>, vector<1x16xf32>,
        %get3A_636 = vector.shape_cast %get3A_635 : vector<1x16xf32> to vector<16xf32>
        %add3A_637 = arith.addf %get3A_632, %get3A_636 : vector<16xf32>
        %swap3A_638 = arith.index_cast %scan3A_558 : i32 to index
        %swap3A_639 = arith.constant 80 : index
        %swap3A_640 = tpu.vector_load %arg23[%swap3A_638, %swap3A_639] {strides = array<i32>} : memref<64x128xf32, #tpu.memory_space<vmem>>, vector<1x16xf32>,
        %swap3A_641 = vector.shape_cast %swap3A_640 : vector<1x16xf32> to vector<16xf32>
        %swap3A_642 = vector.shape_cast %add3A_637 : vector<16xf32> to vector<1x16xf32>
        tpu.vector_store %arg23[%swap3A_638, %swap3A_639], %swap3A_642 {strides = array<i32>} : memref<64x128xf32, #tpu.memory_space<vmem>>, vector<1x16xf32>,
        %get3A_643 = arith.index_cast %scan3A_558 : i32 to index
        %get3A_644 = arith.constant 96 : index
        %get3A_645 = tpu.vector_load %arg19[%get3A_643, %get3A_644] {strides = array<i32>} : memref<64x128xf32, #tpu.memory_space<vmem>>, vector<1x16xf32>,
        %get3A_646 = vector.shape_cast %get3A_645 : vector<1x16xf32> to vector<16xf32>
        %get3A_647 = arith.index_cast %scan3A_558 : i32 to index
        %get3A_648 = arith.constant 96 : index
        %get3A_649 = tpu.vector_load %arg23[%get3A_647, %get3A_648] {strides = array<i32>} : memref<64x128xf32, #tpu.memory_space<vmem>>, vector<1x16xf32>,
        %get3A_650 = vector.shape_cast %get3A_649 : vector<1x16xf32> to vector<16xf32>
        %add3A_651 = arith.addf %get3A_646, %get3A_650 : vector<16xf32>
        %swap3A_652 = arith.index_cast %scan3A_558 : i32 to index
        %swap3A_653 = arith.constant 96 : index
        %swap3A_654 = tpu.vector_load %arg23[%swap3A_652, %swap3A_653] {strides = array<i32>} : memref<64x128xf32, #tpu.memory_space<vmem>>, vector<1x16xf32>,
        %swap3A_655 = vector.shape_cast %swap3A_654 : vector<1x16xf32> to vector<16xf32>
        %swap3A_656 = vector.shape_cast %add3A_651 : vector<16xf32> to vector<1x16xf32>
        tpu.vector_store %arg23[%swap3A_652, %swap3A_653], %swap3A_656 {strides = array<i32>} : memref<64x128xf32, #tpu.memory_space<vmem>>, vector<1x16xf32>,
        %get3A_657 = arith.index_cast %scan3A_558 : i32 to index
        %get3A_658 = arith.constant 112 : index
        %get3A_659 = tpu.vector_load %arg19[%get3A_657, %get3A_658] {strides = array<i32>} : memref<64x128xf32, #tpu.memory_space<vmem>>, vector<1x16xf32>,
        %get3A_660 = vector.shape_cast %get3A_659 : vector<1x16xf32> to vector<16xf32>
        %get3A_661 = arith.index_cast %scan3A_558 : i32 to index
        %get3A_662 = arith.constant 112 : index
        %get3A_663 = tpu.vector_load %arg23[%get3A_661, %get3A_662] {strides = array<i32>} : memref<64x128xf32, #tpu.memory_space<vmem>>, vector<1x16xf32>,
        %get3A_664 = vector.shape_cast %get3A_663 : vector<1x16xf32> to vector<16xf32>
        %add3A_665 = arith.addf %get3A_660, %get3A_664 : vector<16xf32>
        %swap3A_666 = arith.index_cast %scan3A_558 : i32 to index
        %swap3A_667 = arith.constant 112 : index
        %swap3A_668 = tpu.vector_load %arg23[%swap3A_666, %swap3A_667] {strides = array<i32>} : memref<64x128xf32, #tpu.memory_space<vmem>>, vector<1x16xf32>,
        %swap3A_669 = vector.shape_cast %swap3A_668 : vector<1x16xf32> to vector<16xf32>
        %swap3A_670 = vector.shape_cast %add3A_665 : vector<16xf32> to vector<1x16xf32>
        tpu.vector_store %arg23[%swap3A_666, %swap3A_667], %swap3A_670 {strides = array<i32>} : memref<64x128xf32, #tpu.memory_space<vmem>>, vector<1x16xf32>,
      }
      %scan3A_482 = arith.constant 64 : i32
      %mul3A_483 = arith.constant 2048 : i32
      %mul3A_484 = arith.muli %add3A_459, %mul3A_483 : i32
      %add3A_485 = arith.addi %mul3A_484, %mul3A_2 : i32
      %dma_start3A_486 = arith.constant 0 : i32
      %dma_start3A_487 = tpu.memref_slice %arg7[%add3A_485, %dma_start3A_486] : memref<32768x128xf32, #tpu.memory_space<hbm>> -> memref<64x128xf32, #tpu.memory_space<hbm>>
      %dma_start3A_488 = arith.constant 0 : i32
      %dma_start3A_489 = tpu.memref_slice %arg7[%add3A_485, %dma_start3A_488] : memref<32768x128xf32, #tpu.memory_space<hbm>> -> memref<64x128xf32, #tpu.memory_space<hbm>>
      tpu.enqueue_dma source(%arg23 : memref<64x128xf32, #tpu.memory_space<vmem>>) target(%dma_start3A_489 : memref<64x128xf32, #tpu.memory_space<hbm>>) target_semaphore(%arg32 : memref<!tpu.dma_semaphore, #tpu.memory_space<semaphore_mem>>)
      %mul3A_490 = arith.constant 4 : i32
      %mul3A_491 = arith.muli %mul3A_490, %scan3A_423 : i32
      %add3A_492 = arith.constant 2 : i32
      %add3A_493 = arith.addi %mul3A_491, %add3A_492 : i32
      %add3A_494 = arith.constant 4 : i32
      %add3A_495 = arith.addi %add3A_493, %add3A_494 : i32
      %sub3A_496 = arith.constant 1 : i32
      %sub3A_497 = arith.subi %add3A_495, %sub3A_496 : i32
      %lt3A_498 = arith.constant 16 : i32
      %lt3A_499 = arith.cmpi slt, %sub3A_497, %lt3A_498 : i32
      %convert_element_type3A_500 = arith.extui %lt3A_499 : i1 to i32
      %cond3A_501 = arith.constant 0 : i32
      %cond3A_502 = arith.cmpi ne, %convert_element_type3A_500, %cond3A_501 : i32
      scf.if %cond3A_502 {
        %add3A_558 = arith.constant 4 : i32
        %add3A_559 = arith.addi %add3A_493, %add3A_558 : i32
        %sub3A_560 = arith.constant 1 : i32
        %sub3A_561 = arith.subi %add3A_559, %sub3A_560 : i32
        %sub3A_562 = arith.constant 4 : i32
        %sub3A_563 = arith.subi %sub3A_561, %sub3A_562 : i32
        %mul3A_564 = arith.constant 2048 : i32
        %mul3A_565 = arith.muli %sub3A_563, %mul3A_564 : i32
        %add3A_566 = arith.addi %mul3A_565, %mul3A_2 : i32
        %dma_wait3A_567 = arith.constant 0 : i32
        %dma_wait3A_568 = tpu.memref_slice %arg7[%add3A_566, %dma_wait3A_567] : memref<32768x128xf32, #tpu.memory_space<hbm>> -> memref<64x128xf32, #tpu.memory_space<hbm>>
        %dma_wait3A_569 = arith.constant 0 : i32
        %dma_wait3A_570 = tpu.memref_slice %arg7[%add3A_566, %dma_wait3A_569] : memref<32768x128xf32, #tpu.memory_space<hbm>> -> memref<64x128xf32, #tpu.memory_space<hbm>>
        tpu.wait_dma2 semaphore(%arg32 : memref<!tpu.dma_semaphore, #tpu.memory_space<semaphore_mem>>) src(%arg23 : memref<64x128xf32, #tpu.memory_space<vmem>>) dst(%dma_wait3A_570 : memref<64x128xf32, #tpu.memory_space<hbm>>)
        %dma_start3A_571 = tpu.memref_slice %arg9[%sub3A_561, %mul3A_36] : memref<16x128xi32, #tpu.memory_space<vmem>> -> memref<1x64xi32, #tpu.memory_space<vmem>>
        %dma_start3A_572 = tpu.memref_squeeze %dma_start3A_571 : memref<1x64xi32, #tpu.memory_space<vmem>> -> memref<64xi32, #tpu.memory_space<vmem>>
        %dma_start3A_573 = arith.constant 0 : i32
        %dma_start3A_574 = arith.constant 0 : i32
        %dma_start3A_575 = tpu.memref_slice %arg5[%dma_start3A_573, %dma_start3A_574] : memref<100000x128xf32, #tpu.memory_space<hbm>> -> memref<100000x128xf32, #tpu.memory_space<hbm>>
        tpu.enqueue_indirect_dma source(%dma_start3A_575 : memref<100000x128xf32, #tpu.memory_space<hbm>>) target(%arg19 : memref<64x128xf32, #tpu.memory_space<vmem>>) offsets(%dma_start3A_572 : memref<64xi32, #tpu.memory_space<vmem>>) semaphore(%arg28 : memref<!tpu.dma_semaphore, #tpu.memory_space<semaphore_mem>>)
        %add3A_576 = arith.constant 0 : i32
        %add3A_577 = arith.addi %mul3A_36, %add3A_576 : i32
        %get3A_578 = arith.index_cast %sub3A_561 : i32 to index
        %get3A_579 = arith.index_cast %add3A_577 : i32 to index
        %get3A_580 = tpu.vector_load %arg10[%get3A_578, %get3A_579] {strides = array<i32>} : memref<16x128xi32, #tpu.memory_space<vmem>>, vector<1x16xi32>,
        %get3A_581 = vector.shape_cast %get3A_580 : vector<1x16xi32> to vector<16xi32>
        %add3A_582 = arith.constant 0 : i32
        %add3A_583 = arith.addi %mul3A_40, %add3A_582 : i32
        %add3A_584 = vector.broadcast %add3A_583 : i32 to vector<16xi32>
        %add3A_585 = arith.addi %add3A_584, %iota3A : vector<16xi32>
        %mul3A_586 = arith.constant 64 : i32
        %mul3A_587 = vector.broadcast %mul3A_586 : i32 to vector<16xi32>
        %mul3A_588 = arith.muli %get3A_581, %mul3A_587 : vector<16xi32>
        %add3A_589 = arith.addi %add3A_585, %mul3A_588 : vector<16xi32>
        %swap3A_590 = arith.constant 0 : index
        %swap3A_591 = tpu.vector_load %arg15[%swap3A_590] {strides = array<i32>} : memref<64xi32, #tpu.memory_space<vmem>>, vector<16xi32>,
        %swap3A_592 = vector.shape_cast %swap3A_591 : vector<16xi32> to vector<16xi32>
        %swap3A_593 = vector.shape_cast %add3A_589 : vector<16xi32> to vector<16xi32>
        tpu.vector_store %arg15[%swap3A_590], %swap3A_593 {strides = array<i32>} : memref<64xi32, #tpu.memory_space<vmem>>, vector<16xi32>,
        %add3A_594 = arith.constant 16 : i32
        %add3A_595 = arith.addi %mul3A_36, %add3A_594 : i32
        %get3A_596 = arith.index_cast %sub3A_561 : i32 to index
        %get3A_597 = arith.index_cast %add3A_595 : i32 to index
        %get3A_598 = tpu.vector_load %arg10[%get3A_596, %get3A_597] {strides = array<i32>} : memref<16x128xi32, #tpu.memory_space<vmem>>, vector<1x16xi32>,
        %get3A_599 = vector.shape_cast %get3A_598 : vector<1x16xi32> to vector<16xi32>
        %add3A_600 = arith.constant 16 : i32
        %add3A_601 = arith.addi %mul3A_40, %add3A_600 : i32
        %add3A_602 = vector.broadcast %add3A_601 : i32 to vector<16xi32>
        %add3A_603 = arith.addi %add3A_602, %iota3A : vector<16xi32>
        %mul3A_604 = arith.constant 64 : i32
        %mul3A_605 = vector.broadcast %mul3A_604 : i32 to vector<16xi32>
        %mul3A_606 = arith.muli %get3A_599, %mul3A_605 : vector<16xi32>
        %add3A_607 = arith.addi %add3A_603, %mul3A_606 : vector<16xi32>
        %swap3A_608 = arith.constant 16 : index
        %swap3A_609 = tpu.vector_load %arg15[%swap3A_608] {strides = array<i32>} : memref<64xi32, #tpu.memory_space<vmem>>, vector<16xi32>,
        %swap3A_610 = vector.shape_cast %swap3A_609 : vector<16xi32> to vector<16xi32>
        %swap3A_611 = vector.shape_cast %add3A_607 : vector<16xi32> to vector<16xi32>
        tpu.vector_store %arg15[%swap3A_608], %swap3A_611 {strides = array<i32>} : memref<64xi32, #tpu.memory_space<vmem>>, vector<16xi32>,
        %add3A_612 = arith.constant 32 : i32
        %add3A_613 = arith.addi %mul3A_36, %add3A_612 : i32
        %get3A_614 = arith.index_cast %sub3A_561 : i32 to index
        %get3A_615 = arith.index_cast %add3A_613 : i32 to index
        %get3A_616 = tpu.vector_load %arg10[%get3A_614, %get3A_615] {strides = array<i32>} : memref<16x128xi32, #tpu.memory_space<vmem>>, vector<1x16xi32>,
        %get3A_617 = vector.shape_cast %get3A_616 : vector<1x16xi32> to vector<16xi32>
        %add3A_618 = arith.constant 32 : i32
        %add3A_619 = arith.addi %mul3A_40, %add3A_618 : i32
        %add3A_620 = vector.broadcast %add3A_619 : i32 to vector<16xi32>
        %add3A_621 = arith.addi %add3A_620, %iota3A : vector<16xi32>
        %mul3A_622 = arith.constant 64 : i32
        %mul3A_623 = vector.broadcast %mul3A_622 : i32 to vector<16xi32>
        %mul3A_624 = arith.muli %get3A_617, %mul3A_623 : vector<16xi32>
        %add3A_625 = arith.addi %add3A_621, %mul3A_624 : vector<16xi32>
        %swap3A_626 = arith.constant 32 : index
        %swap3A_627 = tpu.vector_load %arg15[%swap3A_626] {strides = array<i32>} : memref<64xi32, #tpu.memory_space<vmem>>, vector<16xi32>,
        %swap3A_628 = vector.shape_cast %swap3A_627 : vector<16xi32> to vector<16xi32>
        %swap3A_629 = vector.shape_cast %add3A_625 : vector<16xi32> to vector<16xi32>
        tpu.vector_store %arg15[%swap3A_626], %swap3A_629 {strides = array<i32>} : memref<64xi32, #tpu.memory_space<vmem>>, vector<16xi32>,
        %add3A_630 = arith.constant 48 : i32
        %add3A_631 = arith.addi %mul3A_36, %add3A_630 : i32
        %get3A_632 = arith.index_cast %sub3A_561 : i32 to index
        %get3A_633 = arith.index_cast %add3A_631 : i32 to index
        %get3A_634 = tpu.vector_load %arg10[%get3A_632, %get3A_633] {strides = array<i32>} : memref<16x128xi32, #tpu.memory_space<vmem>>, vector<1x16xi32>,
        %get3A_635 = vector.shape_cast %get3A_634 : vector<1x16xi32> to vector<16xi32>
        %add3A_636 = arith.constant 48 : i32
        %add3A_637 = arith.addi %mul3A_40, %add3A_636 : i32
        %add3A_638 = vector.broadcast %add3A_637 : i32 to vector<16xi32>
        %add3A_639 = arith.addi %add3A_638, %iota3A : vector<16xi32>
        %mul3A_640 = arith.constant 64 : i32
        %mul3A_641 = vector.broadcast %mul3A_640 : i32 to vector<16xi32>
        %mul3A_642 = arith.muli %get3A_635, %mul3A_641 : vector<16xi32>
        %add3A_643 = arith.addi %add3A_639, %mul3A_642 : vector<16xi32>
        %swap3A_644 = arith.constant 48 : index
        %swap3A_645 = tpu.vector_load %arg15[%swap3A_644] {strides = array<i32>} : memref<64xi32, #tpu.memory_space<vmem>>, vector<16xi32>,
        %swap3A_646 = vector.shape_cast %swap3A_645 : vector<16xi32> to vector<16xi32>
        %swap3A_647 = vector.shape_cast %add3A_643 : vector<16xi32> to vector<16xi32>
        tpu.vector_store %arg15[%swap3A_644], %swap3A_647 {strides = array<i32>} : memref<64xi32, #tpu.memory_space<vmem>>, vector<16xi32>,
        %dma_start3A_648 = arith.constant 0 : i32
        %dma_start3A_649 = arith.constant 0 : i32
        %dma_start3A_650 = tpu.memref_slice %arg8[%dma_start3A_648, %dma_start3A_649] : memref<4096x128xf32, #tpu.memory_space<hbm>> -> memref<4096x128xf32, #tpu.memory_space<hbm>>
        tpu.enqueue_indirect_dma source(%dma_start3A_650 : memref<4096x128xf32, #tpu.memory_space<hbm>>) target(%arg23 : memref<64x128xf32, #tpu.memory_space<vmem>>) offsets(%arg15 : memref<64xi32, #tpu.memory_space<vmem>>) semaphore(%arg28 : memref<!tpu.dma_semaphore, #tpu.memory_space<semaphore_mem>>)
      } else {
      }
      %dma_wait3A_503 = tpu.memref_slice %arg9[%add3A_493, %mul3A_36] : memref<16x128xi32, #tpu.memory_space<vmem>> -> memref<1x64xi32, #tpu.memory_space<vmem>>
      %dma_wait3A_504 = tpu.memref_squeeze %dma_wait3A_503 : memref<1x64xi32, #tpu.memory_space<vmem>> -> memref<64xi32, #tpu.memory_space<vmem>>
      %dma_wait3A_505 = arith.constant 0 : i32
      %dma_wait3A_506 = arith.constant 0 : i32
      %dma_wait3A_507 = tpu.memref_slice %arg5[%dma_wait3A_505, %dma_wait3A_506] : memref<100000x128xf32, #tpu.memory_space<hbm>> -> memref<100000x128xf32, #tpu.memory_space<hbm>>
      tpu.wait_indirect_dma semaphore(%arg29 : memref<!tpu.dma_semaphore, #tpu.memory_space<semaphore_mem>>) src(%dma_wait3A_507 : memref<100000x128xf32, #tpu.memory_space<hbm>>) dst(%arg20 : memref<64x128xf32, #tpu.memory_space<vmem>>)
      %dma_wait3A_508 = arith.constant 0 : i32
      %dma_wait3A_509 = arith.constant 0 : i32
      %dma_wait3A_510 = tpu.memref_slice %arg8[%dma_wait3A_508, %dma_wait3A_509] : memref<4096x128xf32, #tpu.memory_space<hbm>> -> memref<4096x128xf32, #tpu.memory_space<hbm>>
      tpu.wait_indirect_dma semaphore(%arg29 : memref<!tpu.dma_semaphore, #tpu.memory_space<semaphore_mem>>) src(%dma_wait3A_510 : memref<4096x128xf32, #tpu.memory_space<hbm>>) dst(%arg24 : memref<64x128xf32, #tpu.memory_space<vmem>>)
      %scan3A_511 = arith.constant 0 : i32
      %scan3A_512 = arith.constant 0 : i32
      %scan3A_513 = arith.constant 64 : i32
      %scan3A_514 = arith.addi %scan3A_512, %scan3A_513 : i32
      %scan3A_515 = arith.constant 1 : i32
      scf.for %scan3A_558 = %scan3A_512 to %scan3A_514 step %scan3A_515  : i32 {
        %get3A_559 = arith.index_cast %scan3A_558 : i32 to index
        %get3A_560 = arith.constant 0 : index
        %get3A_561 = tpu.vector_load %arg20[%get3A_559, %get3A_560] {strides = array<i32>} : memref<64x128xf32, #tpu.memory_space<vmem>>, vector<1x16xf32>,
        %get3A_562 = vector.shape_cast %get3A_561 : vector<1x16xf32> to vector<16xf32>
        %get3A_563 = arith.index_cast %scan3A_558 : i32 to index
        %get3A_564 = arith.constant 0 : index
        %get3A_565 = tpu.vector_load %arg24[%get3A_563, %get3A_564] {strides = array<i32>} : memref<64x128xf32, #tpu.memory_space<vmem>>, vector<1x16xf32>,
        %get3A_566 = vector.shape_cast %get3A_565 : vector<1x16xf32> to vector<16xf32>
        %add3A_567 = arith.addf %get3A_562, %get3A_566 : vector<16xf32>
        %swap3A_568 = arith.index_cast %scan3A_558 : i32 to index
        %swap3A_569 = arith.constant 0 : index
        %swap3A_570 = tpu.vector_load %arg24[%swap3A_568, %swap3A_569] {strides = array<i32>} : memref<64x128xf32, #tpu.memory_space<vmem>>, vector<1x16xf32>,
        %swap3A_571 = vector.shape_cast %swap3A_570 : vector<1x16xf32> to vector<16xf32>
        %swap3A_572 = vector.shape_cast %add3A_567 : vector<16xf32> to vector<1x16xf32>
        tpu.vector_store %arg24[%swap3A_568, %swap3A_569], %swap3A_572 {strides = array<i32>} : memref<64x128xf32, #tpu.memory_space<vmem>>, vector<1x16xf32>,
        %get3A_573 = arith.index_cast %scan3A_558 : i32 to index
        %get3A_574 = arith.constant 16 : index
        %get3A_575 = tpu.vector_load %arg20[%get3A_573, %get3A_574] {strides = array<i32>} : memref<64x128xf32, #tpu.memory_space<vmem>>, vector<1x16xf32>,
        %get3A_576 = vector.shape_cast %get3A_575 : vector<1x16xf32> to vector<16xf32>
        %get3A_577 = arith.index_cast %scan3A_558 : i32 to index
        %get3A_578 = arith.constant 16 : index
        %get3A_579 = tpu.vector_load %arg24[%get3A_577, %get3A_578] {strides = array<i32>} : memref<64x128xf32, #tpu.memory_space<vmem>>, vector<1x16xf32>,
        %get3A_580 = vector.shape_cast %get3A_579 : vector<1x16xf32> to vector<16xf32>
        %add3A_581 = arith.addf %get3A_576, %get3A_580 : vector<16xf32>
        %swap3A_582 = arith.index_cast %scan3A_558 : i32 to index
        %swap3A_583 = arith.constant 16 : index
        %swap3A_584 = tpu.vector_load %arg24[%swap3A_582, %swap3A_583] {strides = array<i32>} : memref<64x128xf32, #tpu.memory_space<vmem>>, vector<1x16xf32>,
        %swap3A_585 = vector.shape_cast %swap3A_584 : vector<1x16xf32> to vector<16xf32>
        %swap3A_586 = vector.shape_cast %add3A_581 : vector<16xf32> to vector<1x16xf32>
        tpu.vector_store %arg24[%swap3A_582, %swap3A_583], %swap3A_586 {strides = array<i32>} : memref<64x128xf32, #tpu.memory_space<vmem>>, vector<1x16xf32>,
        %get3A_587 = arith.index_cast %scan3A_558 : i32 to index
        %get3A_588 = arith.constant 32 : index
        %get3A_589 = tpu.vector_load %arg20[%get3A_587, %get3A_588] {strides = array<i32>} : memref<64x128xf32, #tpu.memory_space<vmem>>, vector<1x16xf32>,
        %get3A_590 = vector.shape_cast %get3A_589 : vector<1x16xf32> to vector<16xf32>
        %get3A_591 = arith.index_cast %scan3A_558 : i32 to index
        %get3A_592 = arith.constant 32 : index
        %get3A_593 = tpu.vector_load %arg24[%get3A_591, %get3A_592] {strides = array<i32>} : memref<64x128xf32, #tpu.memory_space<vmem>>, vector<1x16xf32>,
        %get3A_594 = vector.shape_cast %get3A_593 : vector<1x16xf32> to vector<16xf32>
        %add3A_595 = arith.addf %get3A_590, %get3A_594 : vector<16xf32>
        %swap3A_596 = arith.index_cast %scan3A_558 : i32 to index
        %swap3A_597 = arith.constant 32 : index
        %swap3A_598 = tpu.vector_load %arg24[%swap3A_596, %swap3A_597] {strides = array<i32>} : memref<64x128xf32, #tpu.memory_space<vmem>>, vector<1x16xf32>,
        %swap3A_599 = vector.shape_cast %swap3A_598 : vector<1x16xf32> to vector<16xf32>
        %swap3A_600 = vector.shape_cast %add3A_595 : vector<16xf32> to vector<1x16xf32>
        tpu.vector_store %arg24[%swap3A_596, %swap3A_597], %swap3A_600 {strides = array<i32>} : memref<64x128xf32, #tpu.memory_space<vmem>>, vector<1x16xf32>,
        %get3A_601 = arith.index_cast %scan3A_558 : i32 to index
        %get3A_602 = arith.constant 48 : index
        %get3A_603 = tpu.vector_load %arg20[%get3A_601, %get3A_602] {strides = array<i32>} : memref<64x128xf32, #tpu.memory_space<vmem>>, vector<1x16xf32>,
        %get3A_604 = vector.shape_cast %get3A_603 : vector<1x16xf32> to vector<16xf32>
        %get3A_605 = arith.index_cast %scan3A_558 : i32 to index
        %get3A_606 = arith.constant 48 : index
        %get3A_607 = tpu.vector_load %arg24[%get3A_605, %get3A_606] {strides = array<i32>} : memref<64x128xf32, #tpu.memory_space<vmem>>, vector<1x16xf32>,
        %get3A_608 = vector.shape_cast %get3A_607 : vector<1x16xf32> to vector<16xf32>
        %add3A_609 = arith.addf %get3A_604, %get3A_608 : vector<16xf32>
        %swap3A_610 = arith.index_cast %scan3A_558 : i32 to index
        %swap3A_611 = arith.constant 48 : index
        %swap3A_612 = tpu.vector_load %arg24[%swap3A_610, %swap3A_611] {strides = array<i32>} : memref<64x128xf32, #tpu.memory_space<vmem>>, vector<1x16xf32>,
        %swap3A_613 = vector.shape_cast %swap3A_612 : vector<1x16xf32> to vector<16xf32>
        %swap3A_614 = vector.shape_cast %add3A_609 : vector<16xf32> to vector<1x16xf32>
        tpu.vector_store %arg24[%swap3A_610, %swap3A_611], %swap3A_614 {strides = array<i32>} : memref<64x128xf32, #tpu.memory_space<vmem>>, vector<1x16xf32>,
        %get3A_615 = arith.index_cast %scan3A_558 : i32 to index
        %get3A_616 = arith.constant 64 : index
        %get3A_617 = tpu.vector_load %arg20[%get3A_615, %get3A_616] {strides = array<i32>} : memref<64x128xf32, #tpu.memory_space<vmem>>, vector<1x16xf32>,
        %get3A_618 = vector.shape_cast %get3A_617 : vector<1x16xf32> to vector<16xf32>
        %get3A_619 = arith.index_cast %scan3A_558 : i32 to index
        %get3A_620 = arith.constant 64 : index
        %get3A_621 = tpu.vector_load %arg24[%get3A_619, %get3A_620] {strides = array<i32>} : memref<64x128xf32, #tpu.memory_space<vmem>>, vector<1x16xf32>,
        %get3A_622 = vector.shape_cast %get3A_621 : vector<1x16xf32> to vector<16xf32>
        %add3A_623 = arith.addf %get3A_618, %get3A_622 : vector<16xf32>
        %swap3A_624 = arith.index_cast %scan3A_558 : i32 to index
        %swap3A_625 = arith.constant 64 : index
        %swap3A_626 = tpu.vector_load %arg24[%swap3A_624, %swap3A_625] {strides = array<i32>} : memref<64x128xf32, #tpu.memory_space<vmem>>, vector<1x16xf32>,
        %swap3A_627 = vector.shape_cast %swap3A_626 : vector<1x16xf32> to vector<16xf32>
        %swap3A_628 = vector.shape_cast %add3A_623 : vector<16xf32> to vector<1x16xf32>
        tpu.vector_store %arg24[%swap3A_624, %swap3A_625], %swap3A_628 {strides = array<i32>} : memref<64x128xf32, #tpu.memory_space<vmem>>, vector<1x16xf32>,
        %get3A_629 = arith.index_cast %scan3A_558 : i32 to index
        %get3A_630 = arith.constant 80 : index
        %get3A_631 = tpu.vector_load %arg20[%get3A_629, %get3A_630] {strides = array<i32>} : memref<64x128xf32, #tpu.memory_space<vmem>>, vector<1x16xf32>,
        %get3A_632 = vector.shape_cast %get3A_631 : vector<1x16xf32> to vector<16xf32>
        %get3A_633 = arith.index_cast %scan3A_558 : i32 to index
        %get3A_634 = arith.constant 80 : index
        %get3A_635 = tpu.vector_load %arg24[%get3A_633, %get3A_634] {strides = array<i32>} : memref<64x128xf32, #tpu.memory_space<vmem>>, vector<1x16xf32>,
        %get3A_636 = vector.shape_cast %get3A_635 : vector<1x16xf32> to vector<16xf32>
        %add3A_637 = arith.addf %get3A_632, %get3A_636 : vector<16xf32>
        %swap3A_638 = arith.index_cast %scan3A_558 : i32 to index
        %swap3A_639 = arith.constant 80 : index
        %swap3A_640 = tpu.vector_load %arg24[%swap3A_638, %swap3A_639] {strides = array<i32>} : memref<64x128xf32, #tpu.memory_space<vmem>>, vector<1x16xf32>,
        %swap3A_641 = vector.shape_cast %swap3A_640 : vector<1x16xf32> to vector<16xf32>
        %swap3A_642 = vector.shape_cast %add3A_637 : vector<16xf32> to vector<1x16xf32>
        tpu.vector_store %arg24[%swap3A_638, %swap3A_639], %swap3A_642 {strides = array<i32>} : memref<64x128xf32, #tpu.memory_space<vmem>>, vector<1x16xf32>,
        %get3A_643 = arith.index_cast %scan3A_558 : i32 to index
        %get3A_644 = arith.constant 96 : index
        %get3A_645 = tpu.vector_load %arg20[%get3A_643, %get3A_644] {strides = array<i32>} : memref<64x128xf32, #tpu.memory_space<vmem>>, vector<1x16xf32>,
        %get3A_646 = vector.shape_cast %get3A_645 : vector<1x16xf32> to vector<16xf32>
        %get3A_647 = arith.index_cast %scan3A_558 : i32 to index
        %get3A_648 = arith.constant 96 : index
        %get3A_649 = tpu.vector_load %arg24[%get3A_647, %get3A_648] {strides = array<i32>} : memref<64x128xf32, #tpu.memory_space<vmem>>, vector<1x16xf32>,
        %get3A_650 = vector.shape_cast %get3A_649 : vector<1x16xf32> to vector<16xf32>
        %add3A_651 = arith.addf %get3A_646, %get3A_650 : vector<16xf32>
        %swap3A_652 = arith.index_cast %scan3A_558 : i32 to index
        %swap3A_653 = arith.constant 96 : index
        %swap3A_654 = tpu.vector_load %arg24[%swap3A_652, %swap3A_653] {strides = array<i32>} : memref<64x128xf32, #tpu.memory_space<vmem>>, vector<1x16xf32>,
        %swap3A_655 = vector.shape_cast %swap3A_654 : vector<1x16xf32> to vector<16xf32>
        %swap3A_656 = vector.shape_cast %add3A_651 : vector<16xf32> to vector<1x16xf32>
        tpu.vector_store %arg24[%swap3A_652, %swap3A_653], %swap3A_656 {strides = array<i32>} : memref<64x128xf32, #tpu.memory_space<vmem>>, vector<1x16xf32>,
        %get3A_657 = arith.index_cast %scan3A_558 : i32 to index
        %get3A_658 = arith.constant 112 : index
        %get3A_659 = tpu.vector_load %arg20[%get3A_657, %get3A_658] {strides = array<i32>} : memref<64x128xf32, #tpu.memory_space<vmem>>, vector<1x16xf32>,
        %get3A_660 = vector.shape_cast %get3A_659 : vector<1x16xf32> to vector<16xf32>
        %get3A_661 = arith.index_cast %scan3A_558 : i32 to index
        %get3A_662 = arith.constant 112 : index
        %get3A_663 = tpu.vector_load %arg24[%get3A_661, %get3A_662] {strides = array<i32>} : memref<64x128xf32, #tpu.memory_space<vmem>>, vector<1x16xf32>,
        %get3A_664 = vector.shape_cast %get3A_663 : vector<1x16xf32> to vector<16xf32>
        %add3A_665 = arith.addf %get3A_660, %get3A_664 : vector<16xf32>
        %swap3A_666 = arith.index_cast %scan3A_558 : i32 to index
        %swap3A_667 = arith.constant 112 : index
        %swap3A_668 = tpu.vector_load %arg24[%swap3A_666, %swap3A_667] {strides = array<i32>} : memref<64x128xf32, #tpu.memory_space<vmem>>, vector<1x16xf32>,
        %swap3A_669 = vector.shape_cast %swap3A_668 : vector<1x16xf32> to vector<16xf32>
        %swap3A_670 = vector.shape_cast %add3A_665 : vector<16xf32> to vector<1x16xf32>
        tpu.vector_store %arg24[%swap3A_666, %swap3A_667], %swap3A_670 {strides = array<i32>} : memref<64x128xf32, #tpu.memory_space<vmem>>, vector<1x16xf32>,
      }
      %scan3A_516 = arith.constant 64 : i32
      %mul3A_517 = arith.constant 2048 : i32
      %mul3A_518 = arith.muli %add3A_493, %mul3A_517 : i32
      %add3A_519 = arith.addi %mul3A_518, %mul3A_2 : i32
      %dma_start3A_520 = arith.constant 0 : i32
      %dma_start3A_521 = tpu.memref_slice %arg7[%add3A_519, %dma_start3A_520] : memref<32768x128xf32, #tpu.memory_space<hbm>> -> memref<64x128xf32, #tpu.memory_space<hbm>>
      %dma_start3A_522 = arith.constant 0 : i32
      %dma_start3A_523 = tpu.memref_slice %arg7[%add3A_519, %dma_start3A_522] : memref<32768x128xf32, #tpu.memory_space<hbm>> -> memref<64x128xf32, #tpu.memory_space<hbm>>
      tpu.enqueue_dma source(%arg24 : memref<64x128xf32, #tpu.memory_space<vmem>>) target(%dma_start3A_523 : memref<64x128xf32, #tpu.memory_space<hbm>>) target_semaphore(%arg33 : memref<!tpu.dma_semaphore, #tpu.memory_space<semaphore_mem>>)
      %mul3A_524 = arith.constant 4 : i32
      %mul3A_525 = arith.muli %mul3A_524, %scan3A_423 : i32
      %add3A_526 = arith.constant 3 : i32
      %add3A_527 = arith.addi %mul3A_525, %add3A_526 : i32
      %add3A_528 = arith.constant 4 : i32
      %add3A_529 = arith.addi %add3A_527, %add3A_528 : i32
      %sub3A_530 = arith.constant 1 : i32
      %sub3A_531 = arith.subi %add3A_529, %sub3A_530 : i32
      %lt3A_532 = arith.constant 16 : i32
      %lt3A_533 = arith.cmpi slt, %sub3A_531, %lt3A_532 : i32
      %convert_element_type3A_534 = arith.extui %lt3A_533 : i1 to i32
      %cond3A_535 = arith.constant 0 : i32
      %cond3A_536 = arith.cmpi ne, %convert_element_type3A_534, %cond3A_535 : i32
      scf.if %cond3A_536 {
        %add3A_558 = arith.constant 4 : i32
        %add3A_559 = arith.addi %add3A_527, %add3A_558 : i32
        %sub3A_560 = arith.constant 1 : i32
        %sub3A_561 = arith.subi %add3A_559, %sub3A_560 : i32
        %sub3A_562 = arith.constant 4 : i32
        %sub3A_563 = arith.subi %sub3A_561, %sub3A_562 : i32
        %mul3A_564 = arith.constant 2048 : i32
        %mul3A_565 = arith.muli %sub3A_563, %mul3A_564 : i32
        %add3A_566 = arith.addi %mul3A_565, %mul3A_2 : i32
        %dma_wait3A_567 = arith.constant 0 : i32
        %dma_wait3A_568 = tpu.memref_slice %arg7[%add3A_566, %dma_wait3A_567] : memref<32768x128xf32, #tpu.memory_space<hbm>> -> memref<64x128xf32, #tpu.memory_space<hbm>>
        %dma_wait3A_569 = arith.constant 0 : i32
        %dma_wait3A_570 = tpu.memref_slice %arg7[%add3A_566, %dma_wait3A_569] : memref<32768x128xf32, #tpu.memory_space<hbm>> -> memref<64x128xf32, #tpu.memory_space<hbm>>
        tpu.wait_dma2 semaphore(%arg33 : memref<!tpu.dma_semaphore, #tpu.memory_space<semaphore_mem>>) src(%arg24 : memref<64x128xf32, #tpu.memory_space<vmem>>) dst(%dma_wait3A_570 : memref<64x128xf32, #tpu.memory_space<hbm>>)
        %dma_start3A_571 = tpu.memref_slice %arg9[%sub3A_561, %mul3A_36] : memref<16x128xi32, #tpu.memory_space<vmem>> -> memref<1x64xi32, #tpu.memory_space<vmem>>
        %dma_start3A_572 = tpu.memref_squeeze %dma_start3A_571 : memref<1x64xi32, #tpu.memory_space<vmem>> -> memref<64xi32, #tpu.memory_space<vmem>>
        %dma_start3A_573 = arith.constant 0 : i32
        %dma_start3A_574 = arith.constant 0 : i32
        %dma_start3A_575 = tpu.memref_slice %arg5[%dma_start3A_573, %dma_start3A_574] : memref<100000x128xf32, #tpu.memory_space<hbm>> -> memref<100000x128xf32, #tpu.memory_space<hbm>>
        tpu.enqueue_indirect_dma source(%dma_start3A_575 : memref<100000x128xf32, #tpu.memory_space<hbm>>) target(%arg20 : memref<64x128xf32, #tpu.memory_space<vmem>>) offsets(%dma_start3A_572 : memref<64xi32, #tpu.memory_space<vmem>>) semaphore(%arg29 : memref<!tpu.dma_semaphore, #tpu.memory_space<semaphore_mem>>)
        %add3A_576 = arith.constant 0 : i32
        %add3A_577 = arith.addi %mul3A_36, %add3A_576 : i32
        %get3A_578 = arith.index_cast %sub3A_561 : i32 to index
        %get3A_579 = arith.index_cast %add3A_577 : i32 to index
        %get3A_580 = tpu.vector_load %arg10[%get3A_578, %get3A_579] {strides = array<i32>} : memref<16x128xi32, #tpu.memory_space<vmem>>, vector<1x16xi32>,
        %get3A_581 = vector.shape_cast %get3A_580 : vector<1x16xi32> to vector<16xi32>
        %add3A_582 = arith.constant 0 : i32
        %add3A_583 = arith.addi %mul3A_40, %add3A_582 : i32
        %add3A_584 = vector.broadcast %add3A_583 : i32 to vector<16xi32>
        %add3A_585 = arith.addi %add3A_584, %iota3A : vector<16xi32>
        %mul3A_586 = arith.constant 64 : i32
        %mul3A_587 = vector.broadcast %mul3A_586 : i32 to vector<16xi32>
        %mul3A_588 = arith.muli %get3A_581, %mul3A_587 : vector<16xi32>
        %add3A_589 = arith.addi %add3A_585, %mul3A_588 : vector<16xi32>
        %swap3A_590 = arith.constant 0 : index
        %swap3A_591 = tpu.vector_load %arg16[%swap3A_590] {strides = array<i32>} : memref<64xi32, #tpu.memory_space<vmem>>, vector<16xi32>,
        %swap3A_592 = vector.shape_cast %swap3A_591 : vector<16xi32> to vector<16xi32>
        %swap3A_593 = vector.shape_cast %add3A_589 : vector<16xi32> to vector<16xi32>
        tpu.vector_store %arg16[%swap3A_590], %swap3A_593 {strides = array<i32>} : memref<64xi32, #tpu.memory_space<vmem>>, vector<16xi32>,
        %add3A_594 = arith.constant 16 : i32
        %add3A_595 = arith.addi %mul3A_36, %add3A_594 : i32
        %get3A_596 = arith.index_cast %sub3A_561 : i32 to index
        %get3A_597 = arith.index_cast %add3A_595 : i32 to index
        %get3A_598 = tpu.vector_load %arg10[%get3A_596, %get3A_597] {strides = array<i32>} : memref<16x128xi32, #tpu.memory_space<vmem>>, vector<1x16xi32>,
        %get3A_599 = vector.shape_cast %get3A_598 : vector<1x16xi32> to vector<16xi32>
        %add3A_600 = arith.constant 16 : i32
        %add3A_601 = arith.addi %mul3A_40, %add3A_600 : i32
        %add3A_602 = vector.broadcast %add3A_601 : i32 to vector<16xi32>
        %add3A_603 = arith.addi %add3A_602, %iota3A : vector<16xi32>
        %mul3A_604 = arith.constant 64 : i32
        %mul3A_605 = vector.broadcast %mul3A_604 : i32 to vector<16xi32>
        %mul3A_606 = arith.muli %get3A_599, %mul3A_605 : vector<16xi32>
        %add3A_607 = arith.addi %add3A_603, %mul3A_606 : vector<16xi32>
        %swap3A_608 = arith.constant 16 : index
        %swap3A_609 = tpu.vector_load %arg16[%swap3A_608] {strides = array<i32>} : memref<64xi32, #tpu.memory_space<vmem>>, vector<16xi32>,
        %swap3A_610 = vector.shape_cast %swap3A_609 : vector<16xi32> to vector<16xi32>
        %swap3A_611 = vector.shape_cast %add3A_607 : vector<16xi32> to vector<16xi32>
        tpu.vector_store %arg16[%swap3A_608], %swap3A_611 {strides = array<i32>} : memref<64xi32, #tpu.memory_space<vmem>>, vector<16xi32>,
        %add3A_612 = arith.constant 32 : i32
        %add3A_613 = arith.addi %mul3A_36, %add3A_612 : i32
        %get3A_614 = arith.index_cast %sub3A_561 : i32 to index
        %get3A_615 = arith.index_cast %add3A_613 : i32 to index
        %get3A_616 = tpu.vector_load %arg10[%get3A_614, %get3A_615] {strides = array<i32>} : memref<16x128xi32, #tpu.memory_space<vmem>>, vector<1x16xi32>,
        %get3A_617 = vector.shape_cast %get3A_616 : vector<1x16xi32> to vector<16xi32>
        %add3A_618 = arith.constant 32 : i32
        %add3A_619 = arith.addi %mul3A_40, %add3A_618 : i32
        %add3A_620 = vector.broadcast %add3A_619 : i32 to vector<16xi32>
        %add3A_621 = arith.addi %add3A_620, %iota3A : vector<16xi32>
        %mul3A_622 = arith.constant 64 : i32
        %mul3A_623 = vector.broadcast %mul3A_622 : i32 to vector<16xi32>
        %mul3A_624 = arith.muli %get3A_617, %mul3A_623 : vector<16xi32>
        %add3A_625 = arith.addi %add3A_621, %mul3A_624 : vector<16xi32>
        %swap3A_626 = arith.constant 32 : index
        %swap3A_627 = tpu.vector_load %arg16[%swap3A_626] {strides = array<i32>} : memref<64xi32, #tpu.memory_space<vmem>>, vector<16xi32>,
        %swap3A_628 = vector.shape_cast %swap3A_627 : vector<16xi32> to vector<16xi32>
        %swap3A_629 = vector.shape_cast %add3A_625 : vector<16xi32> to vector<16xi32>
        tpu.vector_store %arg16[%swap3A_626], %swap3A_629 {strides = array<i32>} : memref<64xi32, #tpu.memory_space<vmem>>, vector<16xi32>,
        %add3A_630 = arith.constant 48 : i32
        %add3A_631 = arith.addi %mul3A_36, %add3A_630 : i32
        %get3A_632 = arith.index_cast %sub3A_561 : i32 to index
        %get3A_633 = arith.index_cast %add3A_631 : i32 to index
        %get3A_634 = tpu.vector_load %arg10[%get3A_632, %get3A_633] {strides = array<i32>} : memref<16x128xi32, #tpu.memory_space<vmem>>, vector<1x16xi32>,
        %get3A_635 = vector.shape_cast %get3A_634 : vector<1x16xi32> to vector<16xi32>
        %add3A_636 = arith.constant 48 : i32
        %add3A_637 = arith.addi %mul3A_40, %add3A_636 : i32
        %add3A_638 = vector.broadcast %add3A_637 : i32 to vector<16xi32>
        %add3A_639 = arith.addi %add3A_638, %iota3A : vector<16xi32>
        %mul3A_640 = arith.constant 64 : i32
        %mul3A_641 = vector.broadcast %mul3A_640 : i32 to vector<16xi32>
        %mul3A_642 = arith.muli %get3A_635, %mul3A_641 : vector<16xi32>
        %add3A_643 = arith.addi %add3A_639, %mul3A_642 : vector<16xi32>
        %swap3A_644 = arith.constant 48 : index
        %swap3A_645 = tpu.vector_load %arg16[%swap3A_644] {strides = array<i32>} : memref<64xi32, #tpu.memory_space<vmem>>, vector<16xi32>,
        %swap3A_646 = vector.shape_cast %swap3A_645 : vector<16xi32> to vector<16xi32>
        %swap3A_647 = vector.shape_cast %add3A_643 : vector<16xi32> to vector<16xi32>
        tpu.vector_store %arg16[%swap3A_644], %swap3A_647 {strides = array<i32>} : memref<64xi32, #tpu.memory_space<vmem>>, vector<16xi32>,
        %dma_start3A_648 = arith.constant 0 : i32
        %dma_start3A_649 = arith.constant 0 : i32
        %dma_start3A_650 = tpu.memref_slice %arg8[%dma_start3A_648, %dma_start3A_649] : memref<4096x128xf32, #tpu.memory_space<hbm>> -> memref<4096x128xf32, #tpu.memory_space<hbm>>
        tpu.enqueue_indirect_dma source(%dma_start3A_650 : memref<4096x128xf32, #tpu.memory_space<hbm>>) target(%arg24 : memref<64x128xf32, #tpu.memory_space<vmem>>) offsets(%arg16 : memref<64xi32, #tpu.memory_space<vmem>>) semaphore(%arg29 : memref<!tpu.dma_semaphore, #tpu.memory_space<semaphore_mem>>)
      } else {
      }
      %dma_wait3A_537 = tpu.memref_slice %arg9[%add3A_527, %mul3A_36] : memref<16x128xi32, #tpu.memory_space<vmem>> -> memref<1x64xi32, #tpu.memory_space<vmem>>
      %dma_wait3A_538 = tpu.memref_squeeze %dma_wait3A_537 : memref<1x64xi32, #tpu.memory_space<vmem>> -> memref<64xi32, #tpu.memory_space<vmem>>
      %dma_wait3A_539 = arith.constant 0 : i32
      %dma_wait3A_540 = arith.constant 0 : i32
      %dma_wait3A_541 = tpu.memref_slice %arg5[%dma_wait3A_539, %dma_wait3A_540] : memref<100000x128xf32, #tpu.memory_space<hbm>> -> memref<100000x128xf32, #tpu.memory_space<hbm>>
      tpu.wait_indirect_dma semaphore(%arg30 : memref<!tpu.dma_semaphore, #tpu.memory_space<semaphore_mem>>) src(%dma_wait3A_541 : memref<100000x128xf32, #tpu.memory_space<hbm>>) dst(%arg21 : memref<64x128xf32, #tpu.memory_space<vmem>>)
      %dma_wait3A_542 = arith.constant 0 : i32
      %dma_wait3A_543 = arith.constant 0 : i32
      %dma_wait3A_544 = tpu.memref_slice %arg8[%dma_wait3A_542, %dma_wait3A_543] : memref<4096x128xf32, #tpu.memory_space<hbm>> -> memref<4096x128xf32, #tpu.memory_space<hbm>>
      tpu.wait_indirect_dma semaphore(%arg30 : memref<!tpu.dma_semaphore, #tpu.memory_space<semaphore_mem>>) src(%dma_wait3A_544 : memref<4096x128xf32, #tpu.memory_space<hbm>>) dst(%arg25 : memref<64x128xf32, #tpu.memory_space<vmem>>)
      %scan3A_545 = arith.constant 0 : i32
      %scan3A_546 = arith.constant 0 : i32
      %scan3A_547 = arith.constant 64 : i32
      %scan3A_548 = arith.addi %scan3A_546, %scan3A_547 : i32
      %scan3A_549 = arith.constant 1 : i32
      scf.for %scan3A_558 = %scan3A_546 to %scan3A_548 step %scan3A_549  : i32 {
        %get3A_559 = arith.index_cast %scan3A_558 : i32 to index
        %get3A_560 = arith.constant 0 : index
        %get3A_561 = tpu.vector_load %arg21[%get3A_559, %get3A_560] {strides = array<i32>} : memref<64x128xf32, #tpu.memory_space<vmem>>, vector<1x16xf32>,
        %get3A_562 = vector.shape_cast %get3A_561 : vector<1x16xf32> to vector<16xf32>
        %get3A_563 = arith.index_cast %scan3A_558 : i32 to index
        %get3A_564 = arith.constant 0 : index
        %get3A_565 = tpu.vector_load %arg25[%get3A_563, %get3A_564] {strides = array<i32>} : memref<64x128xf32, #tpu.memory_space<vmem>>, vector<1x16xf32>,
        %get3A_566 = vector.shape_cast %get3A_565 : vector<1x16xf32> to vector<16xf32>
        %add3A_567 = arith.addf %get3A_562, %get3A_566 : vector<16xf32>
        %swap3A_568 = arith.index_cast %scan3A_558 : i32 to index
        %swap3A_569 = arith.constant 0 : index
        %swap3A_570 = tpu.vector_load %arg25[%swap3A_568, %swap3A_569] {strides = array<i32>} : memref<64x128xf32, #tpu.memory_space<vmem>>, vector<1x16xf32>,
        %swap3A_571 = vector.shape_cast %swap3A_570 : vector<1x16xf32> to vector<16xf32>
        %swap3A_572 = vector.shape_cast %add3A_567 : vector<16xf32> to vector<1x16xf32>
        tpu.vector_store %arg25[%swap3A_568, %swap3A_569], %swap3A_572 {strides = array<i32>} : memref<64x128xf32, #tpu.memory_space<vmem>>, vector<1x16xf32>,
        %get3A_573 = arith.index_cast %scan3A_558 : i32 to index
        %get3A_574 = arith.constant 16 : index
        %get3A_575 = tpu.vector_load %arg21[%get3A_573, %get3A_574] {strides = array<i32>} : memref<64x128xf32, #tpu.memory_space<vmem>>, vector<1x16xf32>,
        %get3A_576 = vector.shape_cast %get3A_575 : vector<1x16xf32> to vector<16xf32>
        %get3A_577 = arith.index_cast %scan3A_558 : i32 to index
        %get3A_578 = arith.constant 16 : index
        %get3A_579 = tpu.vector_load %arg25[%get3A_577, %get3A_578] {strides = array<i32>} : memref<64x128xf32, #tpu.memory_space<vmem>>, vector<1x16xf32>,
        %get3A_580 = vector.shape_cast %get3A_579 : vector<1x16xf32> to vector<16xf32>
        %add3A_581 = arith.addf %get3A_576, %get3A_580 : vector<16xf32>
        %swap3A_582 = arith.index_cast %scan3A_558 : i32 to index
        %swap3A_583 = arith.constant 16 : index
        %swap3A_584 = tpu.vector_load %arg25[%swap3A_582, %swap3A_583] {strides = array<i32>} : memref<64x128xf32, #tpu.memory_space<vmem>>, vector<1x16xf32>,
        %swap3A_585 = vector.shape_cast %swap3A_584 : vector<1x16xf32> to vector<16xf32>
        %swap3A_586 = vector.shape_cast %add3A_581 : vector<16xf32> to vector<1x16xf32>
        tpu.vector_store %arg25[%swap3A_582, %swap3A_583], %swap3A_586 {strides = array<i32>} : memref<64x128xf32, #tpu.memory_space<vmem>>, vector<1x16xf32>,
        %get3A_587 = arith.index_cast %scan3A_558 : i32 to index
        %get3A_588 = arith.constant 32 : index
        %get3A_589 = tpu.vector_load %arg21[%get3A_587, %get3A_588] {strides = array<i32>} : memref<64x128xf32, #tpu.memory_space<vmem>>, vector<1x16xf32>,
        %get3A_590 = vector.shape_cast %get3A_589 : vector<1x16xf32> to vector<16xf32>
        %get3A_591 = arith.index_cast %scan3A_558 : i32 to index
        %get3A_592 = arith.constant 32 : index
        %get3A_593 = tpu.vector_load %arg25[%get3A_591, %get3A_592] {strides = array<i32>} : memref<64x128xf32, #tpu.memory_space<vmem>>, vector<1x16xf32>,
        %get3A_594 = vector.shape_cast %get3A_593 : vector<1x16xf32> to vector<16xf32>
        %add3A_595 = arith.addf %get3A_590, %get3A_594 : vector<16xf32>
        %swap3A_596 = arith.index_cast %scan3A_558 : i32 to index
        %swap3A_597 = arith.constant 32 : index
        %swap3A_598 = tpu.vector_load %arg25[%swap3A_596, %swap3A_597] {strides = array<i32>} : memref<64x128xf32, #tpu.memory_space<vmem>>, vector<1x16xf32>,
        %swap3A_599 = vector.shape_cast %swap3A_598 : vector<1x16xf32> to vector<16xf32>
        %swap3A_600 = vector.shape_cast %add3A_595 : vector<16xf32> to vector<1x16xf32>
        tpu.vector_store %arg25[%swap3A_596, %swap3A_597], %swap3A_600 {strides = array<i32>} : memref<64x128xf32, #tpu.memory_space<vmem>>, vector<1x16xf32>,
        %get3A_601 = arith.index_cast %scan3A_558 : i32 to index
        %get3A_602 = arith.constant 48 : index
        %get3A_603 = tpu.vector_load %arg21[%get3A_601, %get3A_602] {strides = array<i32>} : memref<64x128xf32, #tpu.memory_space<vmem>>, vector<1x16xf32>,
        %get3A_604 = vector.shape_cast %get3A_603 : vector<1x16xf32> to vector<16xf32>
        %get3A_605 = arith.index_cast %scan3A_558 : i32 to index
        %get3A_606 = arith.constant 48 : index
        %get3A_607 = tpu.vector_load %arg25[%get3A_605, %get3A_606] {strides = array<i32>} : memref<64x128xf32, #tpu.memory_space<vmem>>, vector<1x16xf32>,
        %get3A_608 = vector.shape_cast %get3A_607 : vector<1x16xf32> to vector<16xf32>
        %add3A_609 = arith.addf %get3A_604, %get3A_608 : vector<16xf32>
        %swap3A_610 = arith.index_cast %scan3A_558 : i32 to index
        %swap3A_611 = arith.constant 48 : index
        %swap3A_612 = tpu.vector_load %arg25[%swap3A_610, %swap3A_611] {strides = array<i32>} : memref<64x128xf32, #tpu.memory_space<vmem>>, vector<1x16xf32>,
        %swap3A_613 = vector.shape_cast %swap3A_612 : vector<1x16xf32> to vector<16xf32>
        %swap3A_614 = vector.shape_cast %add3A_609 : vector<16xf32> to vector<1x16xf32>
        tpu.vector_store %arg25[%swap3A_610, %swap3A_611], %swap3A_614 {strides = array<i32>} : memref<64x128xf32, #tpu.memory_space<vmem>>, vector<1x16xf32>,
        %get3A_615 = arith.index_cast %scan3A_558 : i32 to index
        %get3A_616 = arith.constant 64 : index
        %get3A_617 = tpu.vector_load %arg21[%get3A_615, %get3A_616] {strides = array<i32>} : memref<64x128xf32, #tpu.memory_space<vmem>>, vector<1x16xf32>,
        %get3A_618 = vector.shape_cast %get3A_617 : vector<1x16xf32> to vector<16xf32>
        %get3A_619 = arith.index_cast %scan3A_558 : i32 to index
        %get3A_620 = arith.constant 64 : index
        %get3A_621 = tpu.vector_load %arg25[%get3A_619, %get3A_620] {strides = array<i32>} : memref<64x128xf32, #tpu.memory_space<vmem>>, vector<1x16xf32>,
        %get3A_622 = vector.shape_cast %get3A_621 : vector<1x16xf32> to vector<16xf32>
        %add3A_623 = arith.addf %get3A_618, %get3A_622 : vector<16xf32>
        %swap3A_624 = arith.index_cast %scan3A_558 : i32 to index
        %swap3A_625 = arith.constant 64 : index
        %swap3A_626 = tpu.vector_load %arg25[%swap3A_624, %swap3A_625] {strides = array<i32>} : memref<64x128xf32, #tpu.memory_space<vmem>>, vector<1x16xf32>,
        %swap3A_627 = vector.shape_cast %swap3A_626 : vector<1x16xf32> to vector<16xf32>
        %swap3A_628 = vector.shape_cast %add3A_623 : vector<16xf32> to vector<1x16xf32>
        tpu.vector_store %arg25[%swap3A_624, %swap3A_625], %swap3A_628 {strides = array<i32>} : memref<64x128xf32, #tpu.memory_space<vmem>>, vector<1x16xf32>,
        %get3A_629 = arith.index_cast %scan3A_558 : i32 to index
        %get3A_630 = arith.constant 80 : index
        %get3A_631 = tpu.vector_load %arg21[%get3A_629, %get3A_630] {strides = array<i32>} : memref<64x128xf32, #tpu.memory_space<vmem>>, vector<1x16xf32>,
        %get3A_632 = vector.shape_cast %get3A_631 : vector<1x16xf32> to vector<16xf32>
        %get3A_633 = arith.index_cast %scan3A_558 : i32 to index
        %get3A_634 = arith.constant 80 : index
        %get3A_635 = tpu.vector_load %arg25[%get3A_633, %get3A_634] {strides = array<i32>} : memref<64x128xf32, #tpu.memory_space<vmem>>, vector<1x16xf32>,
        %get3A_636 = vector.shape_cast %get3A_635 : vector<1x16xf32> to vector<16xf32>
        %add3A_637 = arith.addf %get3A_632, %get3A_636 : vector<16xf32>
        %swap3A_638 = arith.index_cast %scan3A_558 : i32 to index
        %swap3A_639 = arith.constant 80 : index
        %swap3A_640 = tpu.vector_load %arg25[%swap3A_638, %swap3A_639] {strides = array<i32>} : memref<64x128xf32, #tpu.memory_space<vmem>>, vector<1x16xf32>,
        %swap3A_641 = vector.shape_cast %swap3A_640 : vector<1x16xf32> to vector<16xf32>
        %swap3A_642 = vector.shape_cast %add3A_637 : vector<16xf32> to vector<1x16xf32>
        tpu.vector_store %arg25[%swap3A_638, %swap3A_639], %swap3A_642 {strides = array<i32>} : memref<64x128xf32, #tpu.memory_space<vmem>>, vector<1x16xf32>,
        %get3A_643 = arith.index_cast %scan3A_558 : i32 to index
        %get3A_644 = arith.constant 96 : index
        %get3A_645 = tpu.vector_load %arg21[%get3A_643, %get3A_644] {strides = array<i32>} : memref<64x128xf32, #tpu.memory_space<vmem>>, vector<1x16xf32>,
        %get3A_646 = vector.shape_cast %get3A_645 : vector<1x16xf32> to vector<16xf32>
        %get3A_647 = arith.index_cast %scan3A_558 : i32 to index
        %get3A_648 = arith.constant 96 : index
        %get3A_649 = tpu.vector_load %arg25[%get3A_647, %get3A_648] {strides = array<i32>} : memref<64x128xf32, #tpu.memory_space<vmem>>, vector<1x16xf32>,
        %get3A_650 = vector.shape_cast %get3A_649 : vector<1x16xf32> to vector<16xf32>
        %add3A_651 = arith.addf %get3A_646, %get3A_650 : vector<16xf32>
        %swap3A_652 = arith.index_cast %scan3A_558 : i32 to index
        %swap3A_653 = arith.constant 96 : index
        %swap3A_654 = tpu.vector_load %arg25[%swap3A_652, %swap3A_653] {strides = array<i32>} : memref<64x128xf32, #tpu.memory_space<vmem>>, vector<1x16xf32>,
        %swap3A_655 = vector.shape_cast %swap3A_654 : vector<1x16xf32> to vector<16xf32>
        %swap3A_656 = vector.shape_cast %add3A_651 : vector<16xf32> to vector<1x16xf32>
        tpu.vector_store %arg25[%swap3A_652, %swap3A_653], %swap3A_656 {strides = array<i32>} : memref<64x128xf32, #tpu.memory_space<vmem>>, vector<1x16xf32>,
        %get3A_657 = arith.index_cast %scan3A_558 : i32 to index
        %get3A_658 = arith.constant 112 : index
        %get3A_659 = tpu.vector_load %arg21[%get3A_657, %get3A_658] {strides = array<i32>} : memref<64x128xf32, #tpu.memory_space<vmem>>, vector<1x16xf32>,
        %get3A_660 = vector.shape_cast %get3A_659 : vector<1x16xf32> to vector<16xf32>
        %get3A_661 = arith.index_cast %scan3A_558 : i32 to index
        %get3A_662 = arith.constant 112 : index
        %get3A_663 = tpu.vector_load %arg25[%get3A_661, %get3A_662] {strides = array<i32>} : memref<64x128xf32, #tpu.memory_space<vmem>>, vector<1x16xf32>,
        %get3A_664 = vector.shape_cast %get3A_663 : vector<1x16xf32> to vector<16xf32>
        %add3A_665 = arith.addf %get3A_660, %get3A_664 : vector<16xf32>
        %swap3A_666 = arith.index_cast %scan3A_558 : i32 to index
        %swap3A_667 = arith.constant 112 : index
        %swap3A_668 = tpu.vector_load %arg25[%swap3A_666, %swap3A_667] {strides = array<i32>} : memref<64x128xf32, #tpu.memory_space<vmem>>, vector<1x16xf32>,
        %swap3A_669 = vector.shape_cast %swap3A_668 : vector<1x16xf32> to vector<16xf32>
        %swap3A_670 = vector.shape_cast %add3A_665 : vector<16xf32> to vector<1x16xf32>
        tpu.vector_store %arg25[%swap3A_666, %swap3A_667], %swap3A_670 {strides = array<i32>} : memref<64x128xf32, #tpu.memory_space<vmem>>, vector<1x16xf32>,
      }
      %scan3A_550 = arith.constant 64 : i32
      %mul3A_551 = arith.constant 2048 : i32
      %mul3A_552 = arith.muli %add3A_527, %mul3A_551 : i32
      %add3A_553 = arith.addi %mul3A_552, %mul3A_2 : i32
      %dma_start3A_554 = arith.constant 0 : i32
      %dma_start3A_555 = tpu.memref_slice %arg7[%add3A_553, %dma_start3A_554] : memref<32768x128xf32, #tpu.memory_space<hbm>> -> memref<64x128xf32, #tpu.memory_space<hbm>>
      %dma_start3A_556 = arith.constant 0 : i32
      %dma_start3A_557 = tpu.memref_slice %arg7[%add3A_553, %dma_start3A_556] : memref<32768x128xf32, #tpu.memory_space<hbm>> -> memref<64x128xf32, #tpu.memory_space<hbm>>
      tpu.enqueue_dma source(%arg25 : memref<64x128xf32, #tpu.memory_space<vmem>>) target(%dma_start3A_557 : memref<64x128xf32, #tpu.memory_space<hbm>>) target_semaphore(%arg34 : memref<!tpu.dma_semaphore, #tpu.memory_space<semaphore_mem>>)
    }
    %scan3A_406 = arith.constant 4 : i32
    %dma_wait3A_407 = arith.constant 0 : i32
    %dma_wait3A_408 = tpu.memref_slice %arg7[%mul3A_2, %dma_wait3A_407] : memref<32768x128xf32, #tpu.memory_space<hbm>> -> memref<64x128xf32, #tpu.memory_space<hbm>>
    %dma_wait3A_409 = arith.constant 0 : i32
    %dma_wait3A_410 = tpu.memref_slice %arg7[%mul3A_2, %dma_wait3A_409] : memref<32768x128xf32, #tpu.memory_space<hbm>> -> memref<64x128xf32, #tpu.memory_space<hbm>>
    tpu.wait_dma2 semaphore(%arg31 : memref<!tpu.dma_semaphore, #tpu.memory_space<semaphore_mem>>) src(%arg22 : memref<64x128xf32, #tpu.memory_space<vmem>>) dst(%dma_wait3A_410 : memref<64x128xf32, #tpu.memory_space<hbm>>)
    %dma_wait3A_411 = arith.constant 0 : i32
    %dma_wait3A_412 = tpu.memref_slice %arg7[%mul3A_2, %dma_wait3A_411] : memref<32768x128xf32, #tpu.memory_space<hbm>> -> memref<64x128xf32, #tpu.memory_space<hbm>>
    %dma_wait3A_413 = arith.constant 0 : i32
    %dma_wait3A_414 = tpu.memref_slice %arg7[%mul3A_2, %dma_wait3A_413] : memref<32768x128xf32, #tpu.memory_space<hbm>> -> memref<64x128xf32, #tpu.memory_space<hbm>>
    tpu.wait_dma2 semaphore(%arg32 : memref<!tpu.dma_semaphore, #tpu.memory_space<semaphore_mem>>) src(%arg23 : memref<64x128xf32, #tpu.memory_space<vmem>>) dst(%dma_wait3A_414 : memref<64x128xf32, #tpu.memory_space<hbm>>)
    %dma_wait3A_415 = arith.constant 0 : i32
    %dma_wait3A_416 = tpu.memref_slice %arg7[%mul3A_2, %dma_wait3A_415] : memref<32768x128xf32, #tpu.memory_space<hbm>> -> memref<64x128xf32, #tpu.memory_space<hbm>>
    %dma_wait3A_417 = arith.constant 0 : i32
    %dma_wait3A_418 = tpu.memref_slice %arg7[%mul3A_2, %dma_wait3A_417] : memref<32768x128xf32, #tpu.memory_space<hbm>> -> memref<64x128xf32, #tpu.memory_space<hbm>>
    tpu.wait_dma2 semaphore(%arg33 : memref<!tpu.dma_semaphore, #tpu.memory_space<semaphore_mem>>) src(%arg24 : memref<64x128xf32, #tpu.memory_space<vmem>>) dst(%dma_wait3A_418 : memref<64x128xf32, #tpu.memory_space<hbm>>)
    %dma_wait3A_419 = arith.constant 0 : i32
    %dma_wait3A_420 = tpu.memref_slice %arg7[%mul3A_2, %dma_wait3A_419] : memref<32768x128xf32, #tpu.memory_space<hbm>> -> memref<64x128xf32, #tpu.memory_space<hbm>>
    %dma_wait3A_421 = arith.constant 0 : i32
    %dma_wait3A_422 = tpu.memref_slice %arg7[%mul3A_2, %dma_wait3A_421] : memref<32768x128xf32, #tpu.memory_space<hbm>> -> memref<64x128xf32, #tpu.memory_space<hbm>>
    tpu.wait_dma2 semaphore(%arg34 : memref<!tpu.dma_semaphore, #tpu.memory_space<semaphore_mem>>) src(%arg25 : memref<64x128xf32, #tpu.memory_space<vmem>>) dst(%dma_wait3A_422 : memref<64x128xf32, #tpu.memory_space<hbm>>)
    return
  }
}

</mosaic_0001>

<sc_bundles>
// kernel: kernel.3.cloned.1.call-start
scs
__scs_entry_jumppad:
0x0: {  	(pc) =	sbr.rel $0x88, $3  }
0x1: {  	(tag) =	ssettag $0x0;
	lr =	simm.s32 $0x1  }
0x2: {  	[smem:$0x3F9C] =	sst lr;
	_ =	strace $0xD0000000  }
0x3: {  	_ = 	snop  }
0x4: {  	_ = 	snop  }
0x5: {  	_ = 	snop  }
0x6: {  	_ = 	snop  }
0x7: {  	_ = 	snop  }
__scs_overlays_trampoline_lowered:
0x8: {  	[smem:$0x3FAB] =	sst s0  }
0x9: {  	[smem:$0x3FAC] =	sst s1  }
0xa: {  	[smem:$0x3FAD] =	sst s2  }
0xb: {  	[smem:$0x3FAE] =	sst s3  }
0xc: {  	[smem:$0x3FAF] =	sst s4  }
0xd: {  	[smem:$0x3FB0] =	sst s5  }
0xe: {  	[smem:$0x3FB1] =	sst s6  }
0xf: {  	[smem:$0x3FB2] =	sst s7  }
0x10: {  	[smem:$0x3FB3] =	sst s8  }
0x11: {  	[smem:$0x3FB4] =	sst s9;
	s0 =	simm.s32 @!p0 $0x0  }
0x12: {  	s1 =	sld [smem:$0x3F9A];
	s0 =	simm.s32 @p0 $0x1  }
0x13: {  	[smem:$0x3FB5] =	sst s0;
	s0 =	simm.s32 @!p1 $0x0  }
0x14: {  	s2 =	sld [smem:$0x3F99];
	s0 =	simm.s32 @p1 $0x1  }
0x15: {  	[smem:$0x3FB6] =	sst s0;
	s0 =	simm.s32 @!p2 $0x0  }
0x16: {  	s3 =	sld [smem:$0x3FDB];
	s0 =	simm.s32 @p2 $0x1  }
0x17: {  	s4 =	simm.s32 $0x1BF5;
	[smem:$0x3FB8] =	sst s0  }
0x18: {  	s0 =	sld [smem:$0x3F9B];
	_ =	swait.ge [sflag:s4], $0x0  }
0x19: {  	s7 =	sld [smem:$0x3F9C]  }
0x1a: {  	s8 =	sadd.s32 $0xFFFFE003, lr  }
0x1b: {  	s9 =	sadd.s32 $0xFFFFFEF7, lr;
	s5 =	simm.s32 $0xFFFFFFFF;
	p2 =	slt.u32 s8, $0xFFFFF086  }
0x1c: {  	p1 =	slt.u32 s9, $0xF7A;
	s5 =	simm.s32 @!p2 $0x0  }
0x1d: {  	s5 =	simm.s32 @p1 $0x1;
	p0 =	seq.s32 s7, s2  }
0x1e: {  	s7 =	smul.u32 @!p0 $0xF7A, s2;
	p2 =	seq.s32 @!p0 s5, $0x0  }
0x1f: {  	s9 =	smul.u32 $0xF7A, s1;
	s8 =	simm.s32 @!p0 $0x1BF5;
	p2 =	por !p2, p0  }
0x20: {  	[sflag:s8] =	ssyncset.s32 @!p0 $0xFFFFF086;
	s6 =	sadd.s32 @!p0 s3, s7;
	s7 =	simm.s32 @!p0 $0x108  }
0x21: {  	s3 =	sadd.s32 s3, s9;
	s6 =	sadd.s32 @!p0 $0x88, s6;
	s7 =	simm.s32 @p2 $0x1082  }
0x22: {  	[simem:s7], [sflag:s8] =	dma.local @!p0 [hbm:s6], $0xF7A  }
0x23: {  	s9 =	sor.u32 $0xD0000000, s2;
	s6 =	simm.s32 $0x108;
	_ =	swait.ge @!p0 [sflag:s8], $0x0  }
0x24: {  	s3 =	sadd.s32 $0x88, s3;
	s6 =	simm.s32 @!p1 $0x1082;
	[sflag:s4] =	ssyncset.s32 $0xFFFFF086  }
0x25: {  	[simem:s6], [sflag:s4] =	dma.local [hbm:s3], $0xF7A  }
0x26: {  	[smem:$0x3F9C] =	sst s1;
	(tag) =	ssettag s2;
	_ =	strace s9  }
0x27: {  	s1 =	sld [smem:$0x3FAC]  }
0x28: {  	s2 =	sld [smem:$0x3FAD]  }
0x29: {  	s4 =	sld [smem:$0x3FAF]  }
0x2a: {  	p0 =	seq.s32 s5, $0x0;
	s5 =	sld [smem:$0x3FB0]  }
0x2b: {  	s6 =	sld [smem:$0x3FB1]  }
0x2c: {  	s7 =	sld [smem:$0x3FB2]  }
0x2d: {  	s3 =	simm.s32 $0x108;
	s8 =	sld [smem:$0x3FB3]  }
0x2e: {  	s3 =	simm.s32 @!p0 $0x1082;
	s9 =	sld [smem:$0x3FB4]  }
0x2f: {  	lr =	sadd.s32 s0, s3;
	s0 =	sld [smem:$0x3FAB]  }
0x30: {  	s3 =	sld [smem:$0x3FAE]  }
0x31: {  	[smem:$0x3FB7] =	sst s10  }
0x32: {  	s10 =	sld [smem:$0x3FB5];
	_ =	sdelay $0x3  }
0x33: {  	p0 =	seq.s32 s10, $0x1;
	s10 =	sld [smem:$0x3FB7];
	_ =	sdelay $0x3  }
0x34: {  	[smem:$0x3FB7] =	sst s10  }
0x35: {  	s10 =	sld [smem:$0x3FB6];
	_ =	sdelay $0x3  }
0x36: {  	p1 =	seq.s32 s10, $0x1;
	s10 =	sld [smem:$0x3FB7];
	_ =	sdelay $0x3  }
0x37: {  	[smem:$0x3FB7] =	sst s10  }
0x38: {  	s10 =	sld [smem:$0x3FB8]  }
0x39: {  	_ = 	snop;
	(pc) =	sbr.ind lr, $3  }
0x3a: {  	_ = 	snop  }
0x3b: {  	_ = 	snop  }
0x3c: {  	p2 =	seq.s32 s10, $0x1;
	s10 =	sld [smem:$0x3FB7]  }
0x3d: {  	_ =	shalt  }
0x3e: {  	_ =	shalt  }
0x3f: {  	_ =	shalt  }
0x40: {  	_ =	shalt  }
0x41: {  	_ =	shalt  }
0x42: {  	_ =	shalt  }
0x43: {  	_ =	shalt  }
0x44: {  	_ =	shalt  }
0x45: {  	_ =	shalt  }
0x46: {  	_ =	shalt  }
0x47: {  	_ =	shalt  }
0x48: {  	_ =	shalt  }
0x49: {  	_ =	shalt  }
0x4a: {  	_ =	shalt  }
0x4b: {  	_ =	shalt  }
0x4c: {  	_ =	shalt  }
0x4d: {  	_ =	shalt  }
0x4e: {  	_ =	shalt  }
0x4f: {  	_ =	shalt  }
0x50: {  	_ =	shalt  }
0x51: {  	_ =	shalt  }
0x52: {  	_ =	shalt  }
0x53: {  	_ =	shalt  }
0x54: {  	_ =	shalt  }
0x55: {  	_ =	shalt  }
0x56: {  	_ =	shalt  }
0x57: {  	_ =	shalt  }
0x58: {  	_ =	shalt  }
0x59: {  	_ =	shalt  }
0x5a: {  	_ =	shalt  }
0x5b: {  	_ =	shalt  }
0x5c: {  	_ =	shalt  }
0x5d: {  	_ =	shalt  }
0x5e: {  	_ =	shalt  }
0x5f: {  	_ =	shalt  }
0x60: {  	_ =	shalt  }
0x61: {  	_ =	shalt  }
0x62: {  	_ =	shalt  }
0x63: {  	_ =	shalt  }
0x64: {  	_ =	shalt  }
0x65: {  	_ =	shalt  }
0x66: {  	_ =	shalt  }
0x67: {  	_ =	shalt  }
0x68: {  	_ =	shalt  }
0x69: {  	_ =	shalt  }
0x6a: {  	_ =	shalt  }
0x6b: {  	_ =	shalt  }
0x6c: {  	_ =	shalt  }
0x6d: {  	_ =	shalt  }
0x6e: {  	_ =	shalt  }
0x6f: {  	_ =	shalt  }
0x70: {  	_ =	shalt  }
0x71: {  	_ =	shalt  }
0x72: {  	_ =	shalt  }
0x73: {  	_ =	shalt  }
0x74: {  	_ =	shalt  }
0x75: {  	_ =	shalt  }
0x76: {  	_ =	shalt  }
0x77: {  	_ =	shalt  }
0x78: {  	_ =	shalt  }
0x79: {  	_ =	shalt  }
0x7a: {  	_ =	shalt  }
0x7b: {  	_ =	shalt  }
0x7c: {  	_ =	shalt  }
0x7d: {  	_ =	shalt  }
0x7e: {  	_ =	shalt  }
0x7f: {  	_ =	shalt  }
0x80: {  	_ =	shalt  }
0x81: {  	_ =	shalt  }
0x82: {  	_ =	shalt  }
0x83: {  	_ =	shalt  }
0x84: {  	_ =	shalt  }
0x85: {  	_ =	shalt  }
0x86: {  	_ =	shalt  }
0x87: {  	_ =	shalt  }
.Lfunc_end0:
.L_simem_size_0:
called_computation_lowered:
.L_overlay_start_0:
0x88: {  	s2 =	sld [smem:$0x3FD9]  }
0x89: {  	s3 =	sld [smem:$0x3FFE];
	_ =	sdelay $0x1  }
0x8a: {  	s1 =	srdreg.scid  }
0x8b: {  	s0 =	sand.u32 $0x1, s1  }
0x8c: {  	s17 =	sshll.u32 s0, $0xA;
	s2 =	sadd.s32 s3, s2  }
0x8d: {  	s2 =	sadd.s32 s2, s17  }
0x8e: {  	[smem:$0x3FC3] =	sst s2  }
0x8f: {  	_ = 	snop  }
0x90: {  	s2 =	sld [smem:$0x3FC9]  }
0x91: {  	s18 =	sld [smem:$0x3FC8]  }
0x92: {  	s4 =	sld [smem:$0x3FC7]  }
0x93: {  	s5 =	sld [smem:$0x3FC6]  }
0x94: {  	s6 =	sld [smem:$0x3FC5]  }
0x95: {  	s7 =	sld [smem:$0x3FD0];
	(tm) =	ssettm $0x1  }
0x96: {  	s8 =	sld [smem:$0x3FFB];
	_ =	sdelay $0x3  }
0x97: {  	_ =	strace s8  }
0x98: {  	s8 =	sld [smem:$0x3FFC];
	_ =	sdelay $0x3  }
0x99: {  	_ =	strace s8  }
0x9a: {  	s8 =	sld [smem:$0x3FFD];
	_ =	sdelay $0x3  }
0x9b: {  	_ =	strace s8  }
0x9c: {  	_ =	strace $0x8FFFFFFF  }
0x9d: {  	s19 =	sld [smem:$0x3FDB];
	_ =	sdelay $0x1  }
0x9e: {  	s9 =	simm.s32 $_scs_section_size  }
0x9f: {  	s10 =	simm.s32 $_size__tile_overlayer_lowered;
	s11 =	simm.s32 $_tile_overlayer_lowered  }
0xa0: {  	s22 =	simm.s32 $0x1BFF;
	s21 =	sshll.u32 s11, $0x1;
	s8 =	sadd.s32 s9, s19  }
0xa1: {  	s12 =	simm.s32 $0x0;
	s20 =	sshll.u32 s10, $0x1;
	s10 =	sadd.s32 s21, s8  }
0xa2: {  	[timem:s12], [sflag:s22] =	dma.local [hbm:s10], s20  }
0xa3: {  	_ =	swait.ge [sflag:s22], s20  }
0xa4: {  	s9 =	ssub.s32 $0x0, s20;
	[sflag:s22] =	ssyncset.done $0x0  }
0xa5: {  	[sflag:s22] =	ssyncadd.s32 s9;
	_ =	sdelay $0x1  }
0xa6: {  	s23 =	simm.s32 $0x1B8B  }
0xa7: {  	_ =	swait.ge [sflag:s23], $0x1  }
0xa8: {  	[sflag:s23] =	ssyncset.done $0x0  }
0xa9: {  	s25 =	simm.s32 $0x1B8E;
	s24 =	sld [smem:$0x3FFE];
	[sflag:s23] =	ssyncadd.s32 $0xFFFFFFFF  }
0xaa: {  	s26 =	simm.s32 $execute0_lowered;
	[smem:$0x3FD2] =	sst s25  }
0xab: {  	s10 =	sshll.u32 s26, $0x1;
	_ =	strace $0x80000046;
	[dreg:$0x1] =	wrdreg $0xFFFFFFFF  }
0xac: {  	s28 =	simm.s32 $_size_execute0_lowered;
	s8 =	sadd.s32 s8, s10;
	[dreg:$0x0] =	wrdreg $0x0  }
0xad: {  	s10 =	sshll.u32 s28, $0x1;
	[dreg:$0x2] =	wrdreg s8  }
0xae: {  	[dreg:$0x3] =	wrdreg s10  }
0xaf: {  	[dreg:$0x4] =	wrdreg $0xC0  }
0xb0: {  	_ =	task [dreg:s12], $0x5FFFF  }
0xb1: {  	[dreg:$0x1] =	wrdreg $0xFFFFFFFF  }
0xb2: {  	[dreg:$0x0] =	wrdreg $0x60  }
0xb3: {  	[dreg:$0x2] =	wrdreg s2  }
0xb4: {  	[dreg:$0x3] =	wrdreg s18  }
0xb5: {  	[dreg:$0x4] =	wrdreg s4  }
0xb6: {  	[dreg:$0x5] =	wrdreg s5  }
0xb7: {  	[dreg:$0x6] =	wrdreg s6  }
0xb8: {  	[dreg:$0x7] =	wrdreg s7  }
0xb9: {  	[dreg:$0x8] =	wrdreg s24  }
0xba: {  	[dreg:$0x9] =	wrdreg $0x9  }
0xbb: {  	_ =	task.clear_ibuf [dreg:s12], $0xAFFFF;
	_ =	strace $0x90000046  }
0xbc: {  	s29 =	simm.s32 $0x9;
	_ =	strace $0x80000048  }
0xbd: {  	_ =	swait.ge [sflag:s29], $0x1  }
0xbe: {  	[sflag:s29] =	ssyncadd.s32 $0xFFFFFFFF  }
0xbf: {  	_ =	strace $0x90000048  }
0xc0: {  	_ =	sfence  }
0xc1: {  	s30 =	sld [smem:$0x0];
	_ =	sdelay $0x2  }
0xc2: {  	s31 =	sshll.u32 s1, $0xD;
	s1 =	sshrl.u32 s1, $0x2  }
0xc3: {  	s3 =	sand.u32 $0x4000, s31;
	s1 =	sadd.s32 s1, s30  }
0xc4: {  	s0 =	sor.u32 s3, s0;
	s1 =	sshll.u32 s1, $0x11  }
0xc5: {  	s0 =	sor.u32 s1, s0  }
0xc6: {  	s0 =	sadd.s32 $0x8F2B, s0  }
0xc7: {  	[sflag:s0] =	ssyncadd.remote.s32 $0x1  }
0xc8: {  	_ =	sfence.sel $0xFFFF  }
0xc9: {  	[dreg:$0x0] =	wrdreg $0xFFFFFFFF;
	(pc) =	sbr.abs _section_cstart, $3  }
0xca: {  	[dreg:$0x1] =	wrdreg $0xFFFFFFFF  }
0xcb: {  	_ =	task.clear_ibuf [dreg:s12], $0x2FFFF;
	_ =	strace $0x9FFFFFFF  }
0xcc: {  	(tm) =	ssettm $0x7FFFFFFF  }
0xcd: {  	_ =	shalt  }
tec
execute0_lowered:
.L_overlay_start_1:
0x0: {  	(tag) =	ssettag $0x1  }
0x1: {  	s0 =	rddreg [dreg:$0x0]  }
0x2: {  	s2 =	rddreg [dreg:$0x1]  }
0x3: {  	s3 =	rddreg [dreg:$0x2]  }
0x4: {  	s1 =	rddreg [dreg:$0x3]  }
0x5: {  	s4 =	srdreg.scid;
	s12 =	stileid.u32  }
0x6: {  	s6 =	rddreg [dreg:$0x6];
	s7 =	simm.s32 $0x1;
	s29 =	simm.s32 $0x40  }
0x7: {  	s30 =	simm.s32 $0x11300;
	s25 =	simm.s32 $0x7280;
	s28 =	simm.s32 $0x15300  }
0x8: {  	s31 =	simm.s32 $0x2;
	s8 =	sand.u32 $0x1, s4;
	s5 =	sshll.u32 s12, $0x1  }
0x9: {  	s4 =	rddreg [dreg:$0x5];
	s6 =	sadd.s32 $0x800, s6;
	s9 =	sor.u32 s8, s5  }
0xa: {  	p1 =	seq.s32 s8, $0x1;
	s5 =	simm.s32 $0x0;
	s10 =	ssub.s32 $0x2, s8  }
0xb: {  	s8 =	sshll.u32 s8, $0x6;
	s19 =	sadd.s32 $0x8000, s4;
	s20 =	sadd.s32 $0x10000, s4  }
0xc: {  	p0 =	seq.s32 s9, $0x0;
	[smem:$0x7FF] =	sst s5;
	s11 =	sshrl.u32 s10, $0x1  }
0xd: {  	s14 =	sshll.u32 s9, $0xB;
	s21 =	sor.u32 $0x80, s8;
	s24 =	sor.u32 $0x100, s8  }
0xe: {  	s16 =	sor.u32 $0x10, s8;
	s17 =	sor.u32 $0x20, s8;
	p0 =	por !p0, !p1  }
0xf: {  	s18 =	sor.u32 $0x30, s8;
	_ =	strace $0x80000047;
	p0 =	por !p0, !p0  }
0x10: {  	s10 =	ssub.s32 s10, s11;
	[dreg:$0xb] =	wrdreg s21;
	s7 =	simm.s32 @!p0 $0x0  }
0x11: {  	[dreg:$0xc] =	wrdreg s24;
	s7 =	ssub.s32 s12, s7;
	s12 =	sshll.u32 s9, $0x7  }
0x12: {  	s26 =	sshll.u32 s7, $0x7;
	s7 =	sshll.u32 s9, $0xA;
	s15 =	sor.u32 $0x10, s12  }
0x13: {  	s23 =	sor.u32 $0x20, s12;
	s11 =	sand.u32 $0x1FFFFF80, s26;
	s13 =	sadd.s32 s3, s7  }
0x14: {  	s26 =	smax.u32 s10, $0x1;
	s22 =	sadd.s32 s4, s7;
	s3 =	simm.s32 $0x13300  }
0x15: {  	s10 =	simm.s32 $0x3;
	s0 =	sadd.s32 s0, s11;
	[dreg:$0xa] =	wrdreg s13  }
0x16: {  	v3 =	vlaneseq.u32;
	s11 =	sadd.s32 s2, s11;
	s13 =	sor.u32 $0x30, s12;
	[dreg:$0xe] =	wrdreg s26  }
0x17: {  	v0 =	vor.u32 s12, v3;
	s26 =	simm.s32 $0xF300;
	s12 =	simm.s32 $0x5;
	[dreg:$0x8] =	wrdreg s0  }
0x18: {  	[dreg:$0x9] =	wrdreg s11;
	s0 =	sadd.s32 s6, s14;
	s11 =	simm.s32 $0x4  }
0x19: {  	v1 =	vor.u32 s15, v3;
	v2 =	vor.u32 s23, v3;
	v3 =	vor.u32 s13, v3;
	s13 =	simm.s32 $0x0;
	[dreg:$0xd] =	wrdreg s0;
	s0 =	simm.s32 $0xD300  }
.LBB2_1:
0x1a: {  	[dreg:$0xf] =	wrdreg s13  }
0x1b: {  	s2 =	rddreg [dreg:$0x8];
	s9 =	simm.s32 $0x400;
	s15 =	simm.s32 $0x4000  }
0x1c: {  	[tilespmem:s5], [sflag:$0x1] =	stream.strided.gather [hbm4b:s2+s9], $0x800, s15, s9, $0x38;
	[tilespmem:$0x17300] =	vst v63  }
0x1d: {  	s23 =	rddreg [dreg:$0x9];
	s14 =	simm.s32 $0x800  }
0x1e: {  	[tilespmem:s14], [sflag:$0x1] =	stream.strided.gather [hbm4b:s23+s9], $0x800, s15, s9, $0x38;
	[tilespmem:$0x17300] =	vst v63  }
0x1f: {  	s13 =	rddreg [dreg:$0xa];
	s14 =	simm.s32 $0x1000  }
0x20: {  	[tilespmem:s14], [sflag:$0x1] =	stream.linear.gather [hbm4b:s13+s5], $0x2000, $0x38;
	[tilespmem:$0x17300] =	vst v63  }
0x21: {  	s15 =	rddreg [dreg:$0x4];
	s23 =	simm.s32 $0x3000;
	s13 =	simm.s32 $0x1  }
0x22: {  	[tilespmem:s23], [sflag:$0x1] =	stream.linear.gather [hbm4b:s15+s5], $0x100, $0x38;
	[tilespmem:$0x17300] =	vst v63  }
0x23: {  	_ =	swait.ge [sflag:s13], $0x800  }
0x24: {  	[sflag:s13] =	ssyncset.done $0x0  }
0x25: {  	s14 =	simm.s32 $0x7300;
	[sflag:s13] =	ssyncadd.s32 $0xFFFFF800  }
0x26: {  	[tilespmem:s14], [sflag:$0x2] =	stream.indirect.gather [hbm4b:s1+s29], $0x80, s8, s29, $0xb8;
	[tilespmem:$0x17300] =	vst v63  }
0x27: {  	s15 =	simm.s32 $0x9300  }
0x28: {  	[tilespmem:s15], [sflag:$0x3] =	stream.indirect.gather [hbm4b:s1+s29], $0x80, s21, s29, $0xb8;
	[tilespmem:$0x17300] =	vst v63  }
0x29: {  	s23 =	simm.s32 $0xB300  }
0x2a: {  	[tilespmem:s23], [sflag:$0x4] =	stream.indirect.gather [hbm4b:s1+s29], $0x80, s24, s29, $0xb8;
	[tilespmem:$0x17300] =	vst v63  }
0x2b: {  	_ =	swait.ge [sflag:s13], $0x800  }
0x2c: {  	[sflag:s13] =	ssyncset.done $0x0  }
0x2d: {  	[sflag:s13] =	ssyncadd.s32 $0xFFFFF800  }
0x2e: {  	_ =	swait.ge [sflag:s13], $0x2000  }
0x2f: {  	[sflag:s13] =	ssyncset.done $0x0  }
0x30: {  	[sflag:s13] =	ssyncadd.s32 $0xFFFFE000  }
0x31: {  	_ =	swait.ge [sflag:s13], $0x100  }
0x32: {  	[sflag:s13] =	ssyncset.done $0x0  }
0x33: {  	[sflag:s13] =	ssyncadd.s32 $0xFFFFFF00  }
0x34: {  	v18 =	vld [tilespmem:$0x3000]  }
0x35: {  	v17 =	vld [tilespmem:$0x3010]  }
0x36: {  	v16 =	vld [tilespmem:$0x3020]  }
0x37: {  	v15 =	vld [tilespmem:$0x3030]  }
0x38: {  	v14 =	vld [tilespmem:$0x3040]  }
0x39: {  	v13 =	vld [tilespmem:$0x3050]  }
0x3a: {  	v12 =	vld [tilespmem:$0x3060]  }
0x3b: {  	v11 =	vld [tilespmem:$0x3070]  }
0x3c: {  	v10 =	vld [tilespmem:$0x3080]  }
0x3d: {  	v9 =	vld [tilespmem:$0x3090]  }
0x3e: {  	v8 =	vld [tilespmem:$0x30A0]  }
0x3f: {  	v7 =	vld [tilespmem:$0x30B0]  }
0x40: {  	v6 =	vld [tilespmem:$0x30C0]  }
0x41: {  	v5 =	vld [tilespmem:$0x30D0]  }
0x42: {  	v4 =	vld [tilespmem:$0x30E0]  }
0x43: {  	s13 =	simm.s32 $0x0;
	v19 =	vld [tilespmem:$0x30F0]  }
0x44: {  	v20 =	vld [tilespmem:s13+$0x1070]  }
0x45: {  	v21 =	vld [tilespmem:s13+$0x1000]  }
0x46: {  	v25 =	vld [tilespmem:s13+$0x1010]  }
0x47: {  	v22 =	vld [tilespmem:s13+$0x1020]  }
0x48: {  	v23 =	vld [tilespmem:s13+$0x1030]  }
0x49: {  	v24 =	vld [tilespmem:s13+$0x1040];
	v20 =	vadd.f32 v20, v19  }
0x4a: {  	v26 =	vld [tilespmem:s13+$0x1050];
	v27 =	vadd.f32 v21, v18  }
0x4b: {  	v28 =	vld [tilespmem:s13+$0x1060];
	[tilespmem:s13+$0x5170] =	vst v20;
	v20 =	vadd.f32 v25, v17  }
0x4c: {  	v22 =	vadd.f32 v22, v16;
	[tilespmem:s13+$0x3100] =	vst v27;
	v27 =	vld [tilespmem:s13+$0x1070]  }
0x4d: {  	v29 =	vld [tilespmem:s13+$0x1020];
	[tilespmem:s13+$0x3110] =	vst v20;
	v20 =	vadd.f32 v23, v15  }
0x4e: {  	v30 =	vld [tilespmem:s13+$0x1030];
	[tilespmem:s13+$0x3120] =	vst v22;
	v23 =	vadd.f32 v24, v14  }
0x4f: {  	v22 =	vld [tilespmem:s13+$0x1040];
	[tilespmem:s13+$0x3130] =	vst v20;
	v20 =	vadd.f32 v26, v13  }
0x50: {  	[tilespmem:s13+$0x3140] =	vst v23;
	v23 =	vld [tilespmem:s13+$0x1050];
	v26 =	vadd.f32 v28, v12  }
0x51: {  	v24 =	vld [tilespmem:s13+$0x1060];
	v27 =	vadd.f32 v27, v11;
	[tilespmem:s13+$0x3150] =	vst v20  }
0x52: {  	v20 =	vadd.f32 v21, v10;
	v21 =	vadd.f32 v25, v9;
	[tilespmem:s13+$0x3160] =	vst v26  }
0x53: {  	s14 =	simm.s32 $0x400;
	s15 =	simm.s32 $0x80;
	v25 =	vadd.f32 v29, v8;
	v26 =	vadd.f32 v30, v7;
	[tilespmem:s13+$0x3170] =	vst v27  }
.LBB2_2:
0x54: {  	p0 =	sne.s32 s14, $0x7E00;
	v27 =	vld [tilespmem:s15+$0x1070];
	[tilespmem:s13+$0x5100] =	vst v20;
	v20 =	vadd.f32 v22, v6  }
0x55: {  	v22 =	vld [tilespmem:s15+$0x1000];
	[tilespmem:s13+$0x5110] =	vst v21;
	v21 =	vadd.f32 v23, v5  }
0x56: {  	v23 =	vld [tilespmem:s15+$0x1010];
	[tilespmem:s13+$0x5120] =	vst v25;
	v24 =	vadd.f32 v24, v4  }
0x57: {  	v25 =	vld [tilespmem:s15+$0x1020];
	[tilespmem:s13+$0x5130] =	vst v26  }
0x58: {  	v26 =	vld [tilespmem:s15+$0x1030];
	[tilespmem:s13+$0x5140] =	vst v20  }
0x59: {  	v28 =	vld [tilespmem:s15+$0x1040];
	v27 =	vadd.f32 v27, v19;
	[tilespmem:s13+$0x5150] =	vst v21  }
0x5a: {  	v29 =	vadd.f32 v22, v18;
	v30 =	vld [tilespmem:s15+$0x1050];
	v20 =	vadd.f32 v22, v10;
	[tilespmem:s13+$0x5160] =	vst v24;
	s13 =	smov.u32 s15  }
0x5b: {  	v22 =	vadd.f32 v23, v17;
	v24 =	vld [tilespmem:s13+$0x1060];
	v21 =	vadd.f32 v23, v9;
	[tilespmem:s13+$0x5170] =	vst v27  }
0x5c: {  	[tilespmem:s13+$0x3100] =	vst v29;
	v23 =	vadd.f32 v25, v16;
	v25 =	vld [tilespmem:s13+$0x1070]  }
0x5d: {  	[tilespmem:s13+$0x3110] =	vst v22;
	v22 =	vadd.f32 v26, v15;
	v26 =	vld [tilespmem:s13+$0x1020]  }
0x5e: {  	[tilespmem:s13+$0x3120] =	vst v23;
	v23 =	vadd.f32 v28, v14;
	v27 =	vld [tilespmem:s13+$0x1030]  }
.Ltmp0:
0x5f: {  	[tilespmem:s13+$0x3130] =	vst v22;
	v28 =	vadd.f32 v30, v13;
	v22 =	vld [tilespmem:s13+$0x1040];
	(pc) =	sbr.rel @p0 .LBB2_2-.Ltmp0, $4  }
0x60: {  	[tilespmem:s13+$0x3140] =	vst v23;
	v29 =	vadd.f32 v24, v12;
	v23 =	vld [tilespmem:s13+$0x1050]  }
0x61: {  	[tilespmem:s13+$0x3150] =	vst v28;
	v28 =	vadd.f32 v25, v11;
	v24 =	vld [tilespmem:s13+$0x1060]  }
0x62: {  	[tilespmem:s13+$0x3160] =	vst v29;
	v25 =	vadd.f32 v26, v8  }
0x63: {  	s15 =	sshra.s32 s14, $0x2;
	s14 =	sadd.s32 $0x200, s14;
	[tilespmem:s13+$0x3170] =	vst v28;
	v26 =	vadd.f32 v27, v7  }
0x64: {  	v27 =	vld [tilespmem:s15+$0x1070];
	[tilespmem:s13+$0x5100] =	vst v20  }
0x65: {  	v20 =	vld [tilespmem:s15+$0x1000];
	[tilespmem:s13+$0x5110] =	vst v21  }
0x66: {  	v22 =	vadd.f32 v22, v6;
	v21 =	vld [tilespmem:s15+$0x1010];
	[tilespmem:s13+$0x5120] =	vst v25  }
0x67: {  	v23 =	vadd.f32 v23, v5;
	v25 =	vld [tilespmem:s15+$0x1020];
	[tilespmem:s13+$0x5130] =	vst v26  }
0x68: {  	v24 =	vadd.f32 v24, v4;
	v26 =	vld [tilespmem:s15+$0x1030];
	[tilespmem:s13+$0x5140] =	vst v22  }
0x69: {  	v22 =	vld [tilespmem:s15+$0x1040];
	[tilespmem:s13+$0x5150] =	vst v23;
	v19 =	vadd.f32 v27, v19  }
0x6a: {  	v23 =	vld [tilespmem:s15+$0x1050];
	[tilespmem:s13+$0x5160] =	vst v24;
	v18 =	vadd.f32 v20, v18  }
0x6b: {  	v10 =	vadd.f32 v20, v10;
	[tilespmem:s15+$0x5170] =	vst v19  }
0x6c: {  	v17 =	vadd.f32 v21, v17;
	[tilespmem:s15+$0x3100] =	vst v18  }
0x6d: {  	v24 =	vld [tilespmem:s15+$0x1060];
	v9 =	vadd.f32 v21, v9;
	[tilespmem:s15+$0x5100] =	vst v10  }
0x6e: {  	v57 =	vld [tilespmem:s15+$0x1070];
	v16 =	vadd.f32 v25, v16;
	[tilespmem:s15+$0x3110] =	vst v17  }
0x6f: {  	v58 =	vld [tilespmem:s15+$0x1020];
	v15 =	vadd.f32 v26, v15;
	[tilespmem:s15+$0x5110] =	vst v9  }
0x70: {  	v59 =	vld [tilespmem:s15+$0x1030];
	[tilespmem:s15+$0x3120] =	vst v16;
	v14 =	vadd.f32 v22, v14  }
0x71: {  	v60 =	vld [tilespmem:s15+$0x1040];
	[tilespmem:s15+$0x3130] =	vst v15;
	v13 =	vadd.f32 v23, v13  }
0x72: {  	v61 =	vld [tilespmem:s15+$0x1050];
	[tilespmem:s15+$0x3140] =	vst v14;
	v12 =	vadd.f32 v24, v12  }
0x73: {  	v62 =	vld [tilespmem:s15+$0x1060];
	v11 =	vadd.f32 v57, v11;
	[tilespmem:s15+$0x3150] =	vst v13  }
0x74: {  	v8 =	vadd.f32 v58, v8;
	[tilespmem:s15+$0x3160] =	vst v12  }
0x75: {  	v7 =	vadd.f32 v59, v7;
	[tilespmem:s15+$0x3170] =	vst v11  }
0x76: {  	v63 =	vadd.f32 v60, v6;
	[tilespmem:s15+$0x5120] =	vst v8  }
0x77: {  	v5 =	vadd.f32 v61, v5;
	[tilespmem:s15+$0x5130] =	vst v7  }
0x78: {  	v4 =	vadd.f32 v62, v4;
	[tilespmem:s15+$0x5140] =	vst v63  }
0x79: {  	s23 =	simm.s32 $0x0;
	[tilespmem:s15+$0x5150] =	vst v5  }
0x7a: {  	s2 =	rddreg [dreg:$0xd];
	s9 =	simm.s32 $0x3100;
	s14 =	simm.s32 $0xA;
	[tilespmem:s15+$0x5160] =	vst v4  }
0x7b: {  	[hbm4b:s2+s23] =	stream.linear.scatter [tilespmem:s9], [sflag:$0xA], $0x4000, $0x38;
	[tilespmem:$0x17300] =	vst v63  }
0x7c: {  	_ =	swait.ge [sflag:s14], $0x4000  }
0x7d: {  	[sflag:s14] =	ssyncset.done $0x0  }
0x7e: {  	[sflag:s14] =	ssyncadd.s32 $0xFFFFC000  }
0x7f: {  	v4 =	vld [tilespmem:s8+$0x800];
	_ =	sdelay $0x4  }
0x80: {  	v4 =	vshll.u32 v4, $0x6  }
0x81: {  	v4 =	vadd.s32 v0, v4  }
0x82: {  	[tilespmem:$0x7100] =	vst v4  }
0x83: {  	v4 =	vld [tilespmem:s16+$0x800];
	_ =	sdelay $0x4  }
0x84: {  	v4 =	vshll.u32 v4, $0x6  }
0x85: {  	v4 =	vadd.s32 v1, v4  }
0x86: {  	[tilespmem:$0x7110] =	vst v4  }
0x87: {  	v4 =	vld [tilespmem:s17+$0x800];
	_ =	sdelay $0x4  }
0x88: {  	v4 =	vshll.u32 v4, $0x6  }
0x89: {  	v4 =	vadd.s32 v2, v4  }
0x8a: {  	[tilespmem:$0x7120] =	vst v4  }
0x8b: {  	v4 =	vld [tilespmem:s18+$0x800];
	_ =	sdelay $0x4  }
0x8c: {  	v4 =	vshll.u32 v4, $0x6  }
0x8d: {  	v4 =	vadd.s32 v3, v4  }
0x8e: {  	s15 =	simm.s32 $0x7100;
	[tilespmem:$0x7130] =	vst v4  }
0x8f: {  	[tilespmem:s26], [sflag:$0x2] =	stream.indirect.gather [hbm4b:s6+s29], $0x80, s15, s29, $0xb8;
	[tilespmem:$0x17300] =	vst v63  }
0x90: {  	v4 =	vld [tilespmem:s21+$0x800];
	_ =	sdelay $0x4  }
0x91: {  	v4 =	vshll.u32 v4, $0x6  }
0x92: {  	v4 =	vadd.s32 v0, v4  }
0x93: {  	[tilespmem:$0x7180] =	vst v4  }
0x94: {  	v4 =	vld [tilespmem:s8+$0x890];
	_ =	sdelay $0x4  }
0x95: {  	v4 =	vshll.u32 v4, $0x6  }
0x96: {  	v4 =	vadd.s32 v1, v4  }
0x97: {  	[tilespmem:$0x7190] =	vst v4  }
0x98: {  	v4 =	vld [tilespmem:s8+$0x8A0];
	_ =	sdelay $0x4  }
0x99: {  	v4 =	vshll.u32 v4, $0x6  }
0x9a: {  	v4 =	vadd.s32 v2, v4  }
0x9b: {  	[tilespmem:$0x71A0] =	vst v4  }
0x9c: {  	v4 =	vld [tilespmem:s8+$0x8B0];
	_ =	sdelay $0x4  }
0x9d: {  	v4 =	vshll.u32 v4, $0x6  }
0x9e: {  	v4 =	vadd.s32 v3, v4  }
0x9f: {  	s21 =	simm.s32 $0x7180;
	[tilespmem:$0x71B0] =	vst v4  }
0xa0: {  	[tilespmem:s30], [sflag:$0x3] =	stream.indirect.gather [hbm4b:s6+s29], $0x80, s21, s29, $0xb8;
	[tilespmem:$0x17300] =	vst v63  }
0xa1: {  	v4 =	vld [tilespmem:s24+$0x800];
	_ =	sdelay $0x4  }
0xa2: {  	v4 =	vshll.u32 v4, $0x6  }
0xa3: {  	v4 =	vadd.s32 v0, v4  }
0xa4: {  	[tilespmem:$0x7200] =	vst v4  }
0xa5: {  	v4 =	vld [tilespmem:s8+$0x910];
	_ =	sdelay $0x4  }
0xa6: {  	v4 =	vshll.u32 v4, $0x6  }
0xa7: {  	v4 =	vadd.s32 v1, v4  }
0xa8: {  	[tilespmem:$0x7210] =	vst v4  }
0xa9: {  	v4 =	vld [tilespmem:s8+$0x920];
	_ =	sdelay $0x4  }
0xaa: {  	v4 =	vshll.u32 v4, $0x6  }
0xab: {  	v4 =	vadd.s32 v2, v4  }
0xac: {  	[tilespmem:$0x7220] =	vst v4  }
0xad: {  	v4 =	vld [tilespmem:s8+$0x930];
	_ =	sdelay $0x4  }
0xae: {  	v4 =	vshll.u32 v4, $0x6  }
0xaf: {  	v4 =	vadd.s32 v3, v4  }
0xb0: {  	s24 =	simm.s32 $0x7200;
	[tilespmem:$0x7230] =	vst v4  }
0xb1: {  	[tilespmem:s3], [sflag:$0x4] =	stream.indirect.gather [hbm4b:s6+s29], $0x80, s24, s29, $0xb8;
	[tilespmem:$0x17300] =	vst v63  }
.LBB2_4:
0xb2: {  	p0 =	seq.s32 s23, $0x0  }
0xb3: {  	s9 =	simm.s32 @!p0 $0x9  }
0xb4: {  	s24 =	sshllo.u32 s23, $0x2;
	_ =	swait.ge @!p0 [sflag:s9], $0x2000  }
0xb5: {  	s13 =	sshll.u32 s24, $0x7;
	[sflag:s9] =	ssyncset.done @!p0 $0x0  }
0xb6: {  	s14 =	sor.u32 s8, s13;
	[sflag:s9] =	ssyncadd.s32 @!p0 $0xFFFFE000  }
0xb7: {  	[tilespmem:s0], [sflag:$0x5] =	stream.indirect.gather [hbm4b:s1+s29], $0x80, s14, s29, $0xb8;
	[tilespmem:$0x17300] =	vst v63  }
0xb8: {  	v4 =	vld [tilespmem:s14+$0x800];
	_ =	sdelay $0x4  }
0xb9: {  	v4 =	vshll.u32 v4, $0x6  }
0xba: {  	s15 =	sadd.s32 $0x800, s13;
	v4 =	vadd.s32 v0, v4  }
0xbb: {  	s13 =	sor.u32 s16, s15;
	[tilespmem:$0x7280] =	vst v4  }
0xbc: {  	v4 =	vld [tilespmem:s13+$0x0];
	_ =	sdelay $0x4  }
0xbd: {  	v4 =	vshll.u32 v4, $0x6  }
0xbe: {  	v4 =	vadd.s32 v1, v4  }
0xbf: {  	s21 =	sor.u32 s17, s15;
	[tilespmem:$0x7290] =	vst v4  }
0xc0: {  	v4 =	vld [tilespmem:s21+$0x0];
	_ =	sdelay $0x4  }
0xc1: {  	v4 =	vshll.u32 v4, $0x6  }
0xc2: {  	v4 =	vadd.s32 v2, v4  }
0xc3: {  	s9 =	sor.u32 s18, s15;
	[tilespmem:$0x72A0] =	vst v4  }
0xc4: {  	v4 =	vld [tilespmem:s9+$0x0];
	_ =	sdelay $0x4  }
0xc5: {  	v4 =	vshll.u32 v4, $0x6  }
0xc6: {  	v4 =	vadd.s32 v3, v4  }
0xc7: {  	[tilespmem:$0x72B0] =	vst v4  }
0xc8: {  	[tilespmem:s28], [sflag:$0x5] =	stream.indirect.gather [hbm4b:s6+s29], $0x80, s25, s29, $0xb8;
	[tilespmem:$0x17300] =	vst v63  }
0xc9: {  	_ =	swait.ge [sflag:s31], $0x2000  }
0xca: {  	[sflag:s31] =	ssyncset.done $0x0  }
0xcb: {  	[sflag:s31] =	ssyncadd.s32 $0xFFFFE000  }
0xcc: {  	_ =	swait.ge [sflag:s31], $0x2000  }
0xcd: {  	[sflag:s31] =	ssyncset.done $0x0  }
0xce: {  	s13 =	simm.s32 $0x0;
	[sflag:s31] =	ssyncadd.s32 $0xFFFFE000  }
0xcf: {  	v11 =	vld [tilespmem:s13+$0x7300]  }
0xd0: {  	v15 =	vld [tilespmem:s13+$0x7310]  }
0xd1: {  	v9 =	vld [tilespmem:s13+$0x7320]  }
0xd2: {  	v8 =	vld [tilespmem:s13+$0x7330]  }
0xd3: {  	v7 =	vld [tilespmem:s13+$0x7340]  }
0xd4: {  	v6 =	vld [tilespmem:s13+$0x7350]  }
0xd5: {  	v5 =	vld [tilespmem:s13+$0x7360]  }
0xd6: {  	v4 =	vld [tilespmem:s13+$0x7370]  }
0xd7: {  	v16 =	vld [tilespmem:s13+$0xF300]  }
0xd8: {  	v17 =	vld [tilespmem:s13+$0xF310]  }
0xd9: {  	v14 =	vld [tilespmem:s13+$0xF320]  }
0xda: {  	v13 =	vld [tilespmem:s13+$0xF330]  }
0xdb: {  	v12 =	vld [tilespmem:s13+$0xF340]  }
0xdc: {  	v10 =	vld [tilespmem:s13+$0xF350];
	v16 =	vadd.f32 v16, v11  }
0xdd: {  	s14 =	simm.s32 $0x200;
	v15 =	vadd.f32 v17, v15;
	v11 =	vld [tilespmem:s13+$0xF360]  }
.LBB2_5:
0xde: {  	s9 =	sshra.s32 s14, $0x2;
	p0 =	sne.s32 s14, $0x7E00;
	[tilespmem:s13+$0xF300] =	vst v16;
	v9 =	vadd.f32 v14, v9;
	v14 =	vld [tilespmem:s13+$0xF370]  }
0xdf: {  	v16 =	vld [tilespmem:s9+$0x7300];
	[tilespmem:s13+$0xF310] =	vst v15;
	v8 =	vadd.f32 v13, v8  }
0xe0: {  	v15 =	vld [tilespmem:s9+$0x7310];
	[tilespmem:s13+$0xF320] =	vst v9;
	v7 =	vadd.f32 v12, v7  }
0xe1: {  	v9 =	vld [tilespmem:s9+$0x7320];
	[tilespmem:s13+$0xF330] =	vst v8;
	v6 =	vadd.f32 v10, v6  }
0xe2: {  	v8 =	vld [tilespmem:s9+$0x7330];
	[tilespmem:s13+$0xF340] =	vst v7;
	v5 =	vadd.f32 v11, v5  }
0xe3: {  	v7 =	vld [tilespmem:s9+$0x7340];
	[tilespmem:s13+$0xF350] =	vst v6;
	v4 =	vadd.f32 v14, v4  }
0xe4: {  	v6 =	vld [tilespmem:s9+$0x7350];
	[tilespmem:s13+$0xF360] =	vst v5  }
0xe5: {  	v5 =	vld [tilespmem:s9+$0x7360];
	[tilespmem:s13+$0xF370] =	vst v4;
	s13 =	smov.u32 s9  }
0xe6: {  	v4 =	vld [tilespmem:s13+$0x7370]  }
0xe7: {  	v10 =	vld [tilespmem:s13+$0xF300]  }
0xe8: {  	v11 =	vld [tilespmem:s13+$0xF310]  }
.Ltmp1:
0xe9: {  	v14 =	vld [tilespmem:s13+$0xF320];
	(pc) =	sbr.rel @p0 .LBB2_5-.Ltmp1, $4  }
0xea: {  	v13 =	vld [tilespmem:s13+$0xF330]  }
0xeb: {  	v12 =	vld [tilespmem:s13+$0xF340]  }
0xec: {  	v16 =	vadd.f32 v10, v16;
	v10 =	vld [tilespmem:s13+$0xF350]  }
0xed: {  	s14 =	sadd.s32 $0x200, s14;
	v15 =	vadd.f32 v11, v15;
	v11 =	vld [tilespmem:s13+$0xF360]  }
0xee: {  	[tilespmem:s13+$0xF300] =	vst v16;
	v9 =	vadd.f32 v14, v9;
	v14 =	vld [tilespmem:s13+$0xF370]  }
0xef: {  	[tilespmem:s13+$0xF310] =	vst v15;
	v8 =	vadd.f32 v13, v8  }
0xf0: {  	[tilespmem:s13+$0xF320] =	vst v9;
	v7 =	vadd.f32 v12, v7  }
0xf1: {  	[tilespmem:s13+$0xF330] =	vst v8;
	v6 =	vadd.f32 v10, v6  }
0xf2: {  	[tilespmem:s13+$0xF340] =	vst v7;
	v5 =	vadd.f32 v11, v5  }
0xf3: {  	s9 =	sshll.u32 s23, $0x11;
	[tilespmem:s13+$0xF350] =	vst v6;
	v4 =	vadd.f32 v14, v4  }
0xf4: {  	s21 =	sor.u32 s7, s9;
	[tilespmem:s13+$0xF360] =	vst v5  }
0xf5: {  	p0 =	seq.s32 s23, $0x3;
	s9 =	sadd.s32 s4, s21;
	[tilespmem:s13+$0xF370] =	vst v4  }
0xf6: {  	[hbm4b:s9+s5] =	stream.linear.scatter [tilespmem:s26], [sflag:$0x6], $0x2000, $0x38;
	[tilespmem:$0x17300] =	vst v63  }
0xf7: {  	s9 =	simm.s32 @!p0 $0x6  }
0xf8: {  	s15 =	sshll.u32 @!p0 s23, $0x9;
	_ =	swait.ge @!p0 [sflag:s9], $0x2000  }
0xf9: {  	s14 =	simm.s32 @!p0 $0x40;
	s13 =	sor.u32 @!p0 s8, s15;
	[sflag:s9] =	ssyncset.done @!p0 $0x0  }
0xfa: {  	s2 =	simm.s32 @!p0 $0x7300;
	[sflag:s9] =	ssyncadd.s32 @!p0 $0xFFFFE000;
	s9 =	sadd.s32 @!p0 $0x200, s13  }
0xfb: {  	[tilespmem:s2], [sflag:$0x2] =	stream.indirect.gather @!p0 [hbm4b:s1+s14], $0x80, s9, s14, $0xb8;
	[tilespmem:$0x17300] =	vst v63  }
0xfc: {  	v4 =	vld @!p0 [tilespmem:s13+$0xA00];
	_ =	sdelay $0x4  }
0xfd: {  	v4 =	vshll.u32 @!p0 v4, $0x6  }
0xfe: {  	s2 =	sadd.s32 @!p0 $0xA00, s15;
	v4 =	vadd.s32 @!p0 v0, v4  }
0xff: {  	s9 =	sor.u32 @!p0 s16, s2;
	[tilespmem:$0x7100] =	vst @!p0 v4  }
0x100: {  	v4 =	vld @!p0 [tilespmem:s9+$0x0];
	_ =	sdelay $0x4  }
0x101: {  	v4 =	vshll.u32 @!p0 v4, $0x6  }
0x102: {  	v4 =	vadd.s32 @!p0 v1, v4  }
0x103: {  	s9 =	sor.u32 @!p0 s17, s2;
	[tilespmem:$0x7110] =	vst @!p0 v4  }
0x104: {  	v4 =	vld @!p0 [tilespmem:s9+$0x0];
	_ =	sdelay $0x4  }
0x105: {  	v4 =	vshll.u32 @!p0 v4, $0x6  }
0x106: {  	v4 =	vadd.s32 @!p0 v2, v4  }
0x107: {  	s2 =	sor.u32 @!p0 s18, s2;
	[tilespmem:$0x7120] =	vst @!p0 v4  }
0x108: {  	v4 =	vld @!p0 [tilespmem:s2+$0x0];
	_ =	sdelay $0x4  }
0x109: {  	v4 =	vshll.u32 @!p0 v4, $0x6  }
0x10a: {  	v4 =	vadd.s32 @!p0 v3, v4  }
0x10b: {  	s9 =	simm.s32 @!p0 $0xF300;
	s2 =	simm.s32 @!p0 $0x7100;
	[tilespmem:$0x7130] =	vst @!p0 v4  }
0x10c: {  	[tilespmem:s9], [sflag:$0x2] =	stream.indirect.gather @!p0 [hbm4b:s6+s14], $0x80, s2, s14, $0xb8;
	[tilespmem:$0x17300] =	vst v63  }
0x10d: {  	_ =	swait.ge [sflag:s10], $0x2000  }
0x10e: {  	[sflag:s10] =	ssyncset.done $0x0  }
0x10f: {  	[sflag:s10] =	ssyncadd.s32 $0xFFFFE000  }
0x110: {  	_ =	swait.ge [sflag:s10], $0x2000  }
0x111: {  	[sflag:s10] =	ssyncset.done $0x0  }
0x112: {  	s14 =	simm.s32 $0x0;
	[sflag:s10] =	ssyncadd.s32 $0xFFFFE000  }
0x113: {  	v11 =	vld [tilespmem:s14+$0x9300]  }
0x114: {  	v15 =	vld [tilespmem:s14+$0x9310]  }
0x115: {  	v9 =	vld [tilespmem:s14+$0x9320]  }
0x116: {  	v8 =	vld [tilespmem:s14+$0x9330]  }
0x117: {  	v7 =	vld [tilespmem:s14+$0x9340]  }
0x118: {  	v6 =	vld [tilespmem:s14+$0x9350]  }
0x119: {  	v5 =	vld [tilespmem:s14+$0x9360]  }
0x11a: {  	v4 =	vld [tilespmem:s14+$0x9370]  }
0x11b: {  	v16 =	vld [tilespmem:s14+$0x11300]  }
0x11c: {  	v17 =	vld [tilespmem:s14+$0x11310]  }
0x11d: {  	v14 =	vld [tilespmem:s14+$0x11320]  }
0x11e: {  	v13 =	vld [tilespmem:s14+$0x11330]  }
0x11f: {  	v12 =	vld [tilespmem:s14+$0x11340]  }
0x120: {  	v10 =	vld [tilespmem:s14+$0x11350];
	v16 =	vadd.f32 v16, v11  }
0x121: {  	s9 =	simm.s32 $0x200;
	v15 =	vadd.f32 v17, v15;
	v11 =	vld [tilespmem:s14+$0x11360]  }
.LBB2_7:
0x122: {  	s2 =	sshra.s32 s9, $0x2;
	p1 =	sne.s32 s9, $0x7E00;
	[tilespmem:s14+$0x11300] =	vst v16;
	v9 =	vadd.f32 v14, v9;
	v14 =	vld [tilespmem:s14+$0x11370]  }
0x123: {  	v16 =	vld [tilespmem:s2+$0x9300];
	[tilespmem:s14+$0x11310] =	vst v15;
	v8 =	vadd.f32 v13, v8  }
0x124: {  	v15 =	vld [tilespmem:s2+$0x9310];
	[tilespmem:s14+$0x11320] =	vst v9;
	v7 =	vadd.f32 v12, v7  }
0x125: {  	v9 =	vld [tilespmem:s2+$0x9320];
	[tilespmem:s14+$0x11330] =	vst v8;
	v6 =	vadd.f32 v10, v6  }
0x126: {  	v8 =	vld [tilespmem:s2+$0x9330];
	[tilespmem:s14+$0x11340] =	vst v7;
	v5 =	vadd.f32 v11, v5  }
0x127: {  	v7 =	vld [tilespmem:s2+$0x9340];
	[tilespmem:s14+$0x11350] =	vst v6;
	v4 =	vadd.f32 v14, v4  }
0x128: {  	v6 =	vld [tilespmem:s2+$0x9350];
	[tilespmem:s14+$0x11360] =	vst v5  }
0x129: {  	v5 =	vld [tilespmem:s2+$0x9360];
	[tilespmem:s14+$0x11370] =	vst v4;
	s14 =	smov.u32 s2  }
0x12a: {  	v4 =	vld [tilespmem:s14+$0x9370]  }
0x12b: {  	v10 =	vld [tilespmem:s14+$0x11300]  }
0x12c: {  	v11 =	vld [tilespmem:s14+$0x11310]  }
.Ltmp2:
0x12d: {  	v14 =	vld [tilespmem:s14+$0x11320];
	(pc) =	sbr.rel @p1 .LBB2_7-.Ltmp2, $4  }
0x12e: {  	v13 =	vld [tilespmem:s14+$0x11330]  }
0x12f: {  	v12 =	vld [tilespmem:s14+$0x11340]  }
0x130: {  	v16 =	vadd.f32 v10, v16;
	v10 =	vld [tilespmem:s14+$0x11350]  }
0x131: {  	s9 =	sadd.s32 $0x200, s9;
	v15 =	vadd.f32 v11, v15;
	v11 =	vld [tilespmem:s14+$0x11360]  }
0x132: {  	[tilespmem:s14+$0x11300] =	vst v16;
	v9 =	vadd.f32 v14, v9;
	v14 =	vld [tilespmem:s14+$0x11370]  }
0x133: {  	[tilespmem:s14+$0x11310] =	vst v15;
	v8 =	vadd.f32 v13, v8  }
0x134: {  	[tilespmem:s14+$0x11320] =	vst v9;
	v7 =	vadd.f32 v12, v7  }
0x135: {  	[tilespmem:s14+$0x11330] =	vst v8;
	v6 =	vadd.f32 v10, v6  }
0x136: {  	[tilespmem:s14+$0x11340] =	vst v7;
	v5 =	vadd.f32 v11, v5  }
0x137: {  	[tilespmem:s14+$0x11350] =	vst v6;
	v4 =	vadd.f32 v14, v4  }
0x138: {  	[tilespmem:s14+$0x11360] =	vst v5  }
0x139: {  	s2 =	sadd.s32 s21, s19;
	[tilespmem:s14+$0x11370] =	vst v4  }
0x13a: {  	[hbm4b:s2+s5] =	stream.linear.scatter [tilespmem:s30], [sflag:$0x7], $0x2000, $0x38;
	[tilespmem:$0x17300] =	vst v63  }
0x13b: {  	s2 =	simm.s32 @!p0 $0x7  }
0x13c: {  	_ =	swait.ge @!p0 [sflag:s2], $0x2000  }
0x13d: {  	s9 =	simm.s32 @!p0 $0x40;
	[sflag:s2] =	ssyncset.done @!p0 $0x0  }
0x13e: {  	s14 =	simm.s32 @!p0 $0x9300;
	[sflag:s2] =	ssyncadd.s32 @!p0 $0xFFFFE000;
	s2 =	sadd.s32 @!p0 $0x280, s13  }
0x13f: {  	[tilespmem:s14], [sflag:$0x3] =	stream.indirect.gather @!p0 [hbm4b:s1+s9], $0x80, s2, s9, $0xb8;
	[tilespmem:$0x17300] =	vst v63  }
0x140: {  	v4 =	vld @!p0 [tilespmem:s13+$0xA80];
	_ =	sdelay $0x4  }
0x141: {  	v4 =	vshll.u32 @!p0 v4, $0x6  }
0x142: {  	s2 =	sadd.s32 @!p0 $0xA80, s15;
	v4 =	vadd.s32 @!p0 v0, v4  }
0x143: {  	s14 =	sor.u32 @!p0 s16, s2;
	[tilespmem:$0x7180] =	vst @!p0 v4  }
0x144: {  	v4 =	vld @!p0 [tilespmem:s14+$0x0];
	_ =	sdelay $0x4  }
0x145: {  	v4 =	vshll.u32 @!p0 v4, $0x6  }
0x146: {  	v4 =	vadd.s32 @!p0 v1, v4  }
0x147: {  	s14 =	sor.u32 @!p0 s17, s2;
	[tilespmem:$0x7190] =	vst @!p0 v4  }
0x148: {  	v4 =	vld @!p0 [tilespmem:s14+$0x0];
	_ =	sdelay $0x4  }
0x149: {  	v4 =	vshll.u32 @!p0 v4, $0x6  }
0x14a: {  	v4 =	vadd.s32 @!p0 v2, v4  }
0x14b: {  	s2 =	sor.u32 @!p0 s18, s2;
	[tilespmem:$0x71A0] =	vst @!p0 v4  }
0x14c: {  	v4 =	vld @!p0 [tilespmem:s2+$0x0];
	_ =	sdelay $0x4  }
0x14d: {  	v4 =	vshll.u32 @!p0 v4, $0x6  }
0x14e: {  	v4 =	vadd.s32 @!p0 v3, v4  }
0x14f: {  	s14 =	simm.s32 @!p0 $0x11300;
	s2 =	simm.s32 @!p0 $0x7180;
	[tilespmem:$0x71B0] =	vst @!p0 v4  }
0x150: {  	[tilespmem:s14], [sflag:$0x3] =	stream.indirect.gather @!p0 [hbm4b:s6+s9], $0x80, s2, s9, $0xb8;
	[tilespmem:$0x17300] =	vst v63  }
0x151: {  	_ =	swait.ge [sflag:s11], $0x2000  }
0x152: {  	[sflag:s11] =	ssyncset.done $0x0  }
0x153: {  	[sflag:s11] =	ssyncadd.s32 $0xFFFFE000  }
0x154: {  	_ =	swait.ge [sflag:s11], $0x2000  }
0x155: {  	[sflag:s11] =	ssyncset.done $0x0  }
0x156: {  	s14 =	simm.s32 $0x0;
	[sflag:s11] =	ssyncadd.s32 $0xFFFFE000  }
0x157: {  	v11 =	vld [tilespmem:s14+$0xB300]  }
0x158: {  	v15 =	vld [tilespmem:s14+$0xB310]  }
0x159: {  	v9 =	vld [tilespmem:s14+$0xB320]  }
0x15a: {  	v8 =	vld [tilespmem:s14+$0xB330]  }
0x15b: {  	v7 =	vld [tilespmem:s14+$0xB340]  }
0x15c: {  	v6 =	vld [tilespmem:s14+$0xB350]  }
0x15d: {  	v5 =	vld [tilespmem:s14+$0xB360]  }
0x15e: {  	v4 =	vld [tilespmem:s14+$0xB370]  }
0x15f: {  	v16 =	vld [tilespmem:s14+$0x13300]  }
0x160: {  	v17 =	vld [tilespmem:s14+$0x13310]  }
0x161: {  	v14 =	vld [tilespmem:s14+$0x13320]  }
0x162: {  	v13 =	vld [tilespmem:s14+$0x13330]  }
0x163: {  	v12 =	vld [tilespmem:s14+$0x13340]  }
0x164: {  	v10 =	vld [tilespmem:s14+$0x13350];
	v16 =	vadd.f32 v16, v11  }
0x165: {  	s9 =	simm.s32 $0x200;
	v15 =	vadd.f32 v17, v15;
	v11 =	vld [tilespmem:s14+$0x13360]  }
.LBB2_9:
0x166: {  	s2 =	sshra.s32 s9, $0x2;
	p1 =	sne.s32 s9, $0x7E00;
	[tilespmem:s14+$0x13300] =	vst v16;
	v9 =	vadd.f32 v14, v9;
	v14 =	vld [tilespmem:s14+$0x13370]  }
0x167: {  	v16 =	vld [tilespmem:s2+$0xB300];
	[tilespmem:s14+$0x13310] =	vst v15;
	v8 =	vadd.f32 v13, v8  }
0x168: {  	v15 =	vld [tilespmem:s2+$0xB310];
	[tilespmem:s14+$0x13320] =	vst v9;
	v7 =	vadd.f32 v12, v7  }
0x169: {  	v9 =	vld [tilespmem:s2+$0xB320];
	[tilespmem:s14+$0x13330] =	vst v8;
	v6 =	vadd.f32 v10, v6  }
0x16a: {  	v8 =	vld [tilespmem:s2+$0xB330];
	[tilespmem:s14+$0x13340] =	vst v7;
	v5 =	vadd.f32 v11, v5  }
0x16b: {  	v7 =	vld [tilespmem:s2+$0xB340];
	[tilespmem:s14+$0x13350] =	vst v6;
	v4 =	vadd.f32 v14, v4  }
0x16c: {  	v6 =	vld [tilespmem:s2+$0xB350];
	[tilespmem:s14+$0x13360] =	vst v5  }
0x16d: {  	v5 =	vld [tilespmem:s2+$0xB360];
	[tilespmem:s14+$0x13370] =	vst v4;
	s14 =	smov.u32 s2  }
0x16e: {  	v4 =	vld [tilespmem:s14+$0xB370]  }
0x16f: {  	v10 =	vld [tilespmem:s14+$0x13300]  }
0x170: {  	v11 =	vld [tilespmem:s14+$0x13310]  }
.Ltmp3:
0x171: {  	v14 =	vld [tilespmem:s14+$0x13320];
	(pc) =	sbr.rel @p1 .LBB2_9-.Ltmp3, $4  }
0x172: {  	v13 =	vld [tilespmem:s14+$0x13330]  }
0x173: {  	v12 =	vld [tilespmem:s14+$0x13340]  }
0x174: {  	v16 =	vadd.f32 v10, v16;
	v10 =	vld [tilespmem:s14+$0x13350]  }
0x175: {  	s9 =	sadd.s32 $0x200, s9;
	v15 =	vadd.f32 v11, v15;
	v11 =	vld [tilespmem:s14+$0x13360]  }
0x176: {  	[tilespmem:s14+$0x13300] =	vst v16;
	v9 =	vadd.f32 v14, v9;
	v14 =	vld [tilespmem:s14+$0x13370]  }
0x177: {  	[tilespmem:s14+$0x13310] =	vst v15;
	v8 =	vadd.f32 v13, v8  }
0x178: {  	[tilespmem:s14+$0x13320] =	vst v9;
	v7 =	vadd.f32 v12, v7  }
0x179: {  	[tilespmem:s14+$0x13330] =	vst v8;
	v6 =	vadd.f32 v10, v6  }
0x17a: {  	[tilespmem:s14+$0x13340] =	vst v7;
	v5 =	vadd.f32 v11, v5  }
0x17b: {  	[tilespmem:s14+$0x13350] =	vst v6;
	v4 =	vadd.f32 v14, v4  }
0x17c: {  	[tilespmem:s14+$0x13360] =	vst v5  }
0x17d: {  	s2 =	sadd.s32 s21, s20;
	[tilespmem:s14+$0x13370] =	vst v4  }
0x17e: {  	[hbm4b:s2+s5] =	stream.linear.scatter [tilespmem:s3], [sflag:$0x8], $0x2000, $0x38;
	[tilespmem:$0x17300] =	vst v63  }
0x17f: {  	s2 =	simm.s32 @!p0 $0x8  }
0x180: {  	_ =	swait.ge @!p0 [sflag:s2], $0x2000  }
0x181: {  	s9 =	simm.s32 @!p0 $0x40;
	[sflag:s2] =	ssyncset.done @!p0 $0x0  }
0x182: {  	s14 =	simm.s32 @!p0 $0xB300;
	[sflag:s2] =	ssyncadd.s32 @!p0 $0xFFFFE000;
	s2 =	sadd.s32 @!p0 $0x300, s13  }
0x183: {  	[tilespmem:s14], [sflag:$0x4] =	stream.indirect.gather @!p0 [hbm4b:s1+s9], $0x80, s2, s9, $0xb8;
	[tilespmem:$0x17300] =	vst v63  }
0x184: {  	v4 =	vld @!p0 [tilespmem:s13+$0xB00];
	_ =	sdelay $0x4  }
0x185: {  	v4 =	vshll.u32 @!p0 v4, $0x6  }
0x186: {  	s2 =	sadd.s32 @!p0 $0xB00, s15;
	v4 =	vadd.s32 @!p0 v0, v4  }
0x187: {  	s13 =	sor.u32 @!p0 s16, s2;
	[tilespmem:$0x7200] =	vst @!p0 v4  }
0x188: {  	v4 =	vld @!p0 [tilespmem:s13+$0x0];
	_ =	sdelay $0x4  }
0x189: {  	v4 =	vshll.u32 @!p0 v4, $0x6  }
0x18a: {  	v4 =	vadd.s32 @!p0 v1, v4  }
0x18b: {  	s13 =	sor.u32 @!p0 s17, s2;
	[tilespmem:$0x7210] =	vst @!p0 v4  }
0x18c: {  	v4 =	vld @!p0 [tilespmem:s13+$0x0];
	_ =	sdelay $0x4  }
0x18d: {  	v4 =	vshll.u32 @!p0 v4, $0x6  }
0x18e: {  	v4 =	vadd.s32 @!p0 v2, v4  }
0x18f: {  	s2 =	sor.u32 @!p0 s18, s2;
	[tilespmem:$0x7220] =	vst @!p0 v4  }
0x190: {  	v4 =	vld @!p0 [tilespmem:s2+$0x0];
	_ =	sdelay $0x4  }
0x191: {  	v4 =	vshll.u32 @!p0 v4, $0x6  }
0x192: {  	v4 =	vadd.s32 @!p0 v3, v4  }
0x193: {  	s13 =	simm.s32 @!p0 $0x13300;
	s2 =	simm.s32 @!p0 $0x7200;
	[tilespmem:$0x7230] =	vst @!p0 v4  }
0x194: {  	[tilespmem:s13], [sflag:$0x4] =	stream.indirect.gather @!p0 [hbm4b:s6+s9], $0x80, s2, s9, $0xb8;
	[tilespmem:$0x17300] =	vst v63  }
0x195: {  	_ =	swait.ge [sflag:s12], $0x2000  }
0x196: {  	[sflag:s12] =	ssyncset.done $0x0  }
0x197: {  	[sflag:s12] =	ssyncadd.s32 $0xFFFFE000  }
0x198: {  	_ =	swait.ge [sflag:s12], $0x2000  }
0x199: {  	[sflag:s12] =	ssyncset.done $0x0  }
0x19a: {  	s13 =	simm.s32 $0x0;
	[sflag:s12] =	ssyncadd.s32 $0xFFFFE000  }
0x19b: {  	v11 =	vld [tilespmem:s13+$0xD300]  }
0x19c: {  	v15 =	vld [tilespmem:s13+$0xD310]  }
0x19d: {  	v9 =	vld [tilespmem:s13+$0xD320]  }
0x19e: {  	v8 =	vld [tilespmem:s13+$0xD330]  }
0x19f: {  	v7 =	vld [tilespmem:s13+$0xD340]  }
0x1a0: {  	v6 =	vld [tilespmem:s13+$0xD350]  }
0x1a1: {  	v5 =	vld [tilespmem:s13+$0xD360]  }
0x1a2: {  	v4 =	vld [tilespmem:s13+$0xD370]  }
0x1a3: {  	v16 =	vld [tilespmem:s13+$0x15300]  }
0x1a4: {  	v17 =	vld [tilespmem:s13+$0x15310]  }
0x1a5: {  	v14 =	vld [tilespmem:s13+$0x15320]  }
0x1a6: {  	v13 =	vld [tilespmem:s13+$0x15330]  }
0x1a7: {  	v12 =	vld [tilespmem:s13+$0x15340]  }
0x1a8: {  	v10 =	vld [tilespmem:s13+$0x15350];
	v16 =	vadd.f32 v16, v11  }
0x1a9: {  	s9 =	simm.s32 $0x200;
	v15 =	vadd.f32 v17, v15;
	v11 =	vld [tilespmem:s13+$0x15360]  }
.LBB2_11:
0x1aa: {  	s2 =	sshra.s32 s9, $0x2;
	p0 =	sne.s32 s9, $0x7E00;
	[tilespmem:s13+$0x15300] =	vst v16;
	v9 =	vadd.f32 v14, v9;
	v14 =	vld [tilespmem:s13+$0x15370]  }
0x1ab: {  	v16 =	vld [tilespmem:s2+$0xD300];
	[tilespmem:s13+$0x15310] =	vst v15;
	v8 =	vadd.f32 v13, v8  }
0x1ac: {  	v15 =	vld [tilespmem:s2+$0xD310];
	[tilespmem:s13+$0x15320] =	vst v9;
	v7 =	vadd.f32 v12, v7  }
0x1ad: {  	v9 =	vld [tilespmem:s2+$0xD320];
	[tilespmem:s13+$0x15330] =	vst v8;
	v6 =	vadd.f32 v10, v6  }
0x1ae: {  	v8 =	vld [tilespmem:s2+$0xD330];
	[tilespmem:s13+$0x15340] =	vst v7;
	v5 =	vadd.f32 v11, v5  }
0x1af: {  	v7 =	vld [tilespmem:s2+$0xD340];
	[tilespmem:s13+$0x15350] =	vst v6;
	v4 =	vadd.f32 v14, v4  }
0x1b0: {  	v6 =	vld [tilespmem:s2+$0xD350];
	[tilespmem:s13+$0x15360] =	vst v5  }
0x1b1: {  	v5 =	vld [tilespmem:s2+$0xD360];
	[tilespmem:s13+$0x15370] =	vst v4;
	s13 =	smov.u32 s2  }
0x1b2: {  	v4 =	vld [tilespmem:s13+$0xD370]  }
0x1b3: {  	v10 =	vld [tilespmem:s13+$0x15300]  }
0x1b4: {  	v11 =	vld [tilespmem:s13+$0x15310]  }
.Ltmp4:
0x1b5: {  	v14 =	vld [tilespmem:s13+$0x15320];
	(pc) =	sbr.rel @p0 .LBB2_11-.Ltmp4, $4  }
0x1b6: {  	v13 =	vld [tilespmem:s13+$0x15330]  }
0x1b7: {  	v12 =	vld [tilespmem:s13+$0x15340]  }
0x1b8: {  	v16 =	vadd.f32 v10, v16;
	v10 =	vld [tilespmem:s13+$0x15350]  }
0x1b9: {  	s9 =	sadd.s32 $0x200, s9;
	v15 =	vadd.f32 v11, v15;
	v11 =	vld [tilespmem:s13+$0x15360]  }
0x1ba: {  	[tilespmem:s13+$0x15300] =	vst v16;
	v9 =	vadd.f32 v14, v9;
	v63 =	vld [tilespmem:s13+$0x15370]  }
0x1bb: {  	[tilespmem:s13+$0x15310] =	vst v15;
	v8 =	vadd.f32 v13, v8  }
0x1bc: {  	s23 =	sadd.s32 $0x1, s23;
	[tilespmem:s13+$0x15320] =	vst v9;
	v7 =	vadd.f32 v12, v7  }
0x1bd: {  	p0 =	sne.s32 s23, $0x4;
	[tilespmem:s13+$0x15330] =	vst v8;
	v6 =	vadd.f32 v10, v6  }
.Ltmp5:
0x1be: {  	[tilespmem:s13+$0x15340] =	vst v7;
	v5 =	vadd.f32 v11, v5;
	(pc) =	sbr.rel @p0 .LBB2_4-.Ltmp5, $4  }
0x1bf: {  	[tilespmem:s13+$0x15350] =	vst v6;
	v4 =	vadd.f32 v63, v4  }
0x1c0: {  	s2 =	sshll.u32 s24, $0xF;
	[tilespmem:s13+$0x15360] =	vst v5  }
0x1c1: {  	s2 =	sadd.s32 s2, s22;
	[tilespmem:s13+$0x15370] =	vst v4  }
0x1c2: {  	[hbm4b:s2+s5] =	stream.linear.scatter [tilespmem:s28], [sflag:$0x9], $0x2000, $0x38;
	[tilespmem:$0x17300] =	vst v63  }
0x1c3: {  	s2 =	simm.s32 $0x6  }
0x1c4: {  	_ =	swait.ge [sflag:s2], $0x2000  }
0x1c5: {  	[sflag:s2] =	ssyncset.done $0x0  }
0x1c6: {  	s21 =	simm.s32 $0x7;
	[sflag:s2] =	ssyncadd.s32 $0xFFFFE000  }
0x1c7: {  	_ =	swait.ge [sflag:s21], $0x2000  }
0x1c8: {  	[sflag:s21] =	ssyncset.done $0x0  }
0x1c9: {  	s23 =	simm.s32 $0x8;
	[sflag:s21] =	ssyncadd.s32 $0xFFFFE000  }
0x1ca: {  	_ =	swait.ge [sflag:s23], $0x2000  }
0x1cb: {  	[sflag:s23] =	ssyncset.done $0x0  }
0x1cc: {  	s9 =	simm.s32 $0x9;
	[sflag:s23] =	ssyncadd.s32 $0xFFFFE000  }
0x1cd: {  	_ =	swait.ge [sflag:s9], $0x2000  }
0x1ce: {  	s13 =	rddreg [dreg:$0xf]  }
0x1cf: {  	s24 =	rddreg [dreg:$0xe];
	s13 =	sadd.s32 $0x1, s13  }
0x1d0: {  	p0 =	sne.s32 s13, s24  }
.Ltmp6:
0x1d1: {  	_ = 	snop;
	(pc) =	sbr.rel @p0 .LBB2_1-.Ltmp6, $3  }
0x1d2: {  	_ =	sdelay $0x1  }
0x1d3: {  	[sflag:s9] =	ssyncset.done $0x0;
	s21 =	rddreg [dreg:$0xb]  }
0x1d4: {  	[sflag:s9] =	ssyncadd.s32 $0xFFFFE000;
	s24 =	rddreg [dreg:$0xc]  }
0x1d5: {  	_ =	sfence.sel $0x180000  }
0x1d6: {  	[bflag:$0x0] =	sbarrier.arrive $0xFFFF  }
0x1d7: {  	_ =	strace $0x90000047  }
0x1d8: {  	s0 =	stileid.u32;
	[bflag:$0x2] =	sbarrier.arrive $0xFFFF  }
0x1d9: {  	p0 =	sne.s32 s0, $0x0;
	s0 =	rddreg [dreg:$0x7]  }
0x1da: {  	s0 =	sadd.s32 @!p0 $0x100000, s0  }
0x1db: {  	[sflag:s0] =	ssyncadd.tile.s32 @!p0 $0x1;
	_ =	shalt  }
.Lfunc_end2:
_tile_overlayer_lowered:
.L_overlay_start_2:
0x1dc: {  	(tag) =	ssettag $0x2  }
0x1dd: {  	s0 =	rddreg [dreg:$0x0];
	s2 =	stileid.u32  }
0x1de: {  	s1 =	rddreg [dreg:$0x1];
	p0 =	sne.s32 s2, $0x0  }
0x1df: {  	s3 =	rddreg [dreg:$0x2];
	[bflag:$0x3] =	sbarrier.arrive $0xFFFF;
	s2 =	simm.s32 @!p0 $0x1C0A  }
0x1e0: {  	[timem:s3], [sflag:s2] =	dma.local @!p0 [hbm:s0], s1  }
0x1e1: {  	s0 =	simm.s32 @!p0 $0xA  }
0x1e2: {  	_ =	swait.ge @!p0 [sflag:s0], s1  }
0x1e3: {  	s1 =	ssub.s32 @!p0 $0x0, s1;
	[sflag:s0] =	ssyncset.done @!p0 $0x0  }
0x1e4: {  	[sflag:s0] =	ssyncadd.s32 @!p0 s1  }
0x1e5: {  	[bflag:$0x3] =	sbarrier.arrive $0xFFFF  }
0x1e6: {  	_ =	shalt  }

</sc_bundles>
